<compile_context>
chip_gen: v7x
topology: tpu7x:2x2x1
jax: 0.10.2.dev20260603
libtpu: 0.0.44.dev20260713+nightly
codegen_flags: <defaults>
</compile_context>

<pallas_src>
import functools

import jax
import jax.numpy as jnp
from jax import lax
from jax.experimental import pallas as pl
from jax.experimental.pallas import tpu as pltpu
from jax.experimental.pallas import tpu_sc as plsc

_D = 1024
_NC = 2
_NS = 16
_NW = _NC * _NS
_K = 8
_NBUF = 8


def _make_gather(batch: int, seq: int):
    n_tokens = batch * seq
    bpw = n_tokens // _NW
    nchunk = bpw // _K
    wpr = seq // bpw

    @functools.partial(
        pl.kernel,
        out_type=jax.ShapeDtypeStruct((n_tokens, _D), jnp.float32),
        mesh=plsc.VectorSubcoreMesh(core_axis_name="c", subcore_axis_name="s"),
        scratch_types=(
            [pltpu.VMEM((bpw,), jnp.int32)]
            + [pltpu.VMEM((_K, _D), jnp.float32)] * _NBUF
            + [pltpu.SemaphoreType.DMA] * (2 * _NBUF)
        ),
    )
    def gather_kernel(idx_hbm, table_hbm, out_hbm, idx_v, *bufs):
        rows = bufs[:_NBUF]
        gs = bufs[_NBUF:2 * _NBUF]
        os_ = bufs[2 * _NBUF:]
        wid = lax.axis_index("s") * _NC + lax.axis_index("c")
        pltpu.sync_copy(
            idx_hbm.at[wid // wpr, pl.ds((wid % wpr) * bpw, bpw)], idx_v)
        base = wid * bpw

        for b in range(_NBUF):
            pltpu.async_copy(
                table_hbm.at[idx_v.at[pl.ds(b * _K, _K)]], rows[b], gs[b])

        def step(i, carry):
            for b in range(_NBUF):
                j = i * _NBUF + b
                j2 = j + _NBUF
                pltpu.make_async_copy(
                    table_hbm.at[idx_v.at[pl.ds(0, _K)]], rows[b], gs[b]).wait()
                pltpu.async_copy(
                    rows[b], out_hbm.at[pl.ds(base + j * _K, _K)], os_[b])

                @pl.when(j2 < nchunk)
                def _():
                    pltpu.make_async_copy(
                        rows[b], out_hbm.at[pl.ds(base, _K)], os_[b]).wait()
                    pltpu.async_copy(
                        table_hbm.at[idx_v.at[pl.ds(j2 * _K, _K)]],
                        rows[b], gs[b])
            return carry

        lax.fori_loop(0, nchunk // _NBUF, step, 0)
        for b in range(_NBUF):
            pltpu.make_async_copy(
                rows[b], out_hbm.at[pl.ds(base, _K)], os_[b]).wait()

    return gather_kernel


def kernel(x, table):
    batch, seq = x.shape
    out = _make_gather(batch, seq)(x.astype(jnp.int32), table)
    return out.reshape(batch, seq, _D)

# --- scband reference (transcript-rebuilt; emitter-appended) ---
"""Pipeline reference for scband-input-id-encoder-29197187678887 (READ-ONLY COPY).

The authoritative reference and input builder live on the scoring server;
editing this copy changes nothing except your own understanding.
"""

import jax, jax.numpy as jnp
import numpy as np

VOCAB = 100000
D_MODEL = 1024
BATCH = 4
SEQ = 4096

def setup_inputs(seed: int = 0) -> dict:
    key = jax.random.key(seed)
    k_idx, k_tab = jax.random.split(key)
    x = jax.random.randint(k_idx, (BATCH, SEQ), 0, VOCAB, dtype=jnp.int64 if jax.config.jax_enable_x64 else jnp.int32)
    table = jax.random.normal(k_tab, (VOCAB, D_MODEL), dtype=jnp.float32)
    return {"x": x, "table": table}

def reference(x, table):
    # token_encoder: embedding lookup
    embedding = jnp.take(table, x, axis=0)  # (N, t, d_model)
    # positional_encoder is nn.Identity() in this configuration
    return embedding

if __name__ == "__main__":
    import jax
    _d = setup_inputs()
    print(jax.jit(kernel)(*tuple(_d.values())))

</pallas_src>

<mosaic_0001>
#map = affine_map<(d0, d1) -> (0, 0)>
module attributes {stable_mosaic.version = 14 : i64} {
  func.func @gather_kernel(%arg0: i32, %arg1: i32, %arg2: memref<4x4096xi32, #tpu.memory_space<hbm>>, %arg3: memref<100000x1024xf32, #tpu.memory_space<hbm>>, %arg4: memref<16384x1024xf32, #tpu.memory_space<hbm>>, %arg5: memref<512xi32, #tpu.memory_space<vmem>>, %arg6: memref<8x1024xf32, #tpu.memory_space<vmem>>, %arg7: memref<8x1024xf32, #tpu.memory_space<vmem>>, %arg8: memref<8x1024xf32, #tpu.memory_space<vmem>>, %arg9: memref<8x1024xf32, #tpu.memory_space<vmem>>, %arg10: memref<8x1024xf32, #tpu.memory_space<vmem>>, %arg11: memref<8x1024xf32, #tpu.memory_space<vmem>>, %arg12: memref<8x1024xf32, #tpu.memory_space<vmem>>, %arg13: memref<8x1024xf32, #tpu.memory_space<vmem>>, %arg14: memref<!tpu.dma_semaphore, #tpu.memory_space<semaphore_mem>>, %arg15: memref<!tpu.dma_semaphore, #tpu.memory_space<semaphore_mem>>, %arg16: memref<!tpu.dma_semaphore, #tpu.memory_space<semaphore_mem>>, %arg17: memref<!tpu.dma_semaphore, #tpu.memory_space<semaphore_mem>>, %arg18: memref<!tpu.dma_semaphore, #tpu.memory_space<semaphore_mem>>, %arg19: memref<!tpu.dma_semaphore, #tpu.memory_space<semaphore_mem>>, %arg20: memref<!tpu.dma_semaphore, #tpu.memory_space<semaphore_mem>>, %arg21: memref<!tpu.dma_semaphore, #tpu.memory_space<semaphore_mem>>, %arg22: memref<!tpu.dma_semaphore, #tpu.memory_space<semaphore_mem>>, %arg23: memref<!tpu.dma_semaphore, #tpu.memory_space<semaphore_mem>>, %arg24: memref<!tpu.dma_semaphore, #tpu.memory_space<semaphore_mem>>, %arg25: memref<!tpu.dma_semaphore, #tpu.memory_space<semaphore_mem>>, %arg26: memref<!tpu.dma_semaphore, #tpu.memory_space<semaphore_mem>>, %arg27: memref<!tpu.dma_semaphore, #tpu.memory_space<semaphore_mem>>, %arg28: memref<!tpu.dma_semaphore, #tpu.memory_space<semaphore_mem>>, %arg29: memref<!tpu.dma_semaphore, #tpu.memory_space<semaphore_mem>>) attributes {dimension_semantics = [#tpu.dimension_semantics<core_parallel>, #tpu.dimension_semantics<subcore_parallel>], iteration_bounds = array<i64: 2, 16>, scalar_prefetch = 0 : i64, scratch_operands = 25 : i64, tpu.core_type = #tpu.core_type<sc_vector_subcore>, window_params = [{transform_indices = #map}, {transform_indices = #map}, {transform_indices = #map}]} {
    %mul3A = arith.constant 2 : i32
    %mul3A_0 = arith.muli %arg1, %mul3A : i32
    %add3A = arith.addi %mul3A_0, %arg0 : i32
    %jit3A = arith.constant 8 : i32
    %div3A = arith.divsi %add3A, %jit3A : i32
    %sign3A = arith.constant 0 : i32
    %sign3A_1 = arith.cmpi sgt, %add3A, %sign3A : i32
    %sign3A_2 = arith.extui %sign3A_1 : i1 to i32
    %sign3A_3 = arith.constant 0 : i32
    %sign3A_4 = arith.cmpi slt, %add3A, %sign3A_3 : i32
    %sign3A_5 = arith.extui %sign3A_4 : i1 to i32
    %sign3A_6 = arith.subi %sign3A_2, %sign3A_5 : i32
    %sign3A_7 = arith.constant 0 : i32
    %sign3A_8 = arith.cmpi sgt, %jit3A, %sign3A_7 : i32
    %sign3A_9 = arith.extui %sign3A_8 : i1 to i32
    %sign3A_10 = arith.constant 0 : i32
    %sign3A_11 = arith.cmpi slt, %jit3A, %sign3A_10 : i32
    %sign3A_12 = arith.extui %sign3A_11 : i1 to i32
    %sign3A_13 = arith.subi %sign3A_9, %sign3A_12 : i32
    %ne3A = arith.cmpi ne, %sign3A_6, %sign3A_13 : i32
    %rem3A = arith.remsi %add3A, %jit3A : i32
    %ne3A_14 = arith.constant 0 : i32
    %ne3A_15 = arith.cmpi ne, %rem3A, %ne3A_14 : i32
    %and3A = arith.andi %ne3A, %ne3A_15 : i1
    %sub3A = arith.constant 1 : i32
    %sub3A_16 = arith.subi %div3A, %sub3A : i32
    %select_n3A = arith.select %and3A, %sub3A_16, %div3A : i32
    %jit3A_17 = arith.constant 8 : i32
    %eq3A = arith.constant 0 : i32
    %eq3A_18 = arith.cmpi eq, %jit3A_17, %eq3A : i32
    %jit3A_19 = arith.constant 1 : i32
    %select_n3A_20 = arith.select %eq3A_18, %jit3A_19, %jit3A_17 : i32
    %rem3A_21 = arith.remsi %add3A, %select_n3A_20 : i32
    %ne3A_22 = arith.constant 0 : i32
    %ne3A_23 = arith.cmpi ne, %rem3A_21, %ne3A_22 : i32
    %lt3A = arith.constant 0 : i32
    %lt3A_24 = arith.cmpi slt, %rem3A_21, %lt3A : i32
    %lt3A_25 = arith.constant 0 : i32
    %lt3A_26 = arith.cmpi slt, %select_n3A_20, %lt3A_25 : i32
    %ne3A_27 = arith.xori %lt3A_24, %lt3A_26 : i1
    %and3A_28 = arith.andi %ne3A_27, %ne3A_23 : i1
    %add3A_29 = arith.addi %rem3A_21, %select_n3A_20 : i32
    %select_n3A_30 = arith.select %and3A_28, %add3A_29, %rem3A_21 : i32
    %mul3A_31 = arith.constant 512 : i32
    %mul3A_32 = arith.muli %select_n3A_30, %mul3A_31 : i32
    "tpu.region"() ({
      %run_scoped3A = tpu.sem_alloc : memref<!tpu.dma_semaphore, #tpu.memory_space<semaphore_mem>>
      %dma_start3A_110 = tpu.memref_slice %arg2[%select_n3A, %mul3A_32] : memref<4x4096xi32, #tpu.memory_space<hbm>> -> memref<1x512xi32, #tpu.memory_space<hbm>>
      %dma_start3A_111 = tpu.memref_squeeze %dma_start3A_110 : memref<1x512xi32, #tpu.memory_space<hbm>> -> memref<512xi32, #tpu.memory_space<hbm>>
      %dma_start3A_112 = tpu.memref_slice %arg2[%select_n3A, %mul3A_32] : memref<4x4096xi32, #tpu.memory_space<hbm>> -> memref<1x512xi32, #tpu.memory_space<hbm>>
      %dma_start3A_113 = tpu.memref_squeeze %dma_start3A_112 : memref<1x512xi32, #tpu.memory_space<hbm>> -> memref<512xi32, #tpu.memory_space<hbm>>
      tpu.enqueue_dma source(%dma_start3A_113 : memref<512xi32, #tpu.memory_space<hbm>>) target(%arg5 : memref<512xi32, #tpu.memory_space<vmem>>) target_semaphore(%run_scoped3A : memref<!tpu.dma_semaphore, #tpu.memory_space<semaphore_mem>>)
      %dma_wait3A_114 = tpu.memref_slice %arg2[%select_n3A, %mul3A_32] : memref<4x4096xi32, #tpu.memory_space<hbm>> -> memref<1x512xi32, #tpu.memory_space<hbm>>
      %dma_wait3A_115 = tpu.memref_squeeze %dma_wait3A_114 : memref<1x512xi32, #tpu.memory_space<hbm>> -> memref<512xi32, #tpu.memory_space<hbm>>
      %dma_wait3A_116 = tpu.memref_slice %arg2[%select_n3A, %mul3A_32] : memref<4x4096xi32, #tpu.memory_space<hbm>> -> memref<1x512xi32, #tpu.memory_space<hbm>>
      %dma_wait3A_117 = tpu.memref_squeeze %dma_wait3A_116 : memref<1x512xi32, #tpu.memory_space<hbm>> -> memref<512xi32, #tpu.memory_space<hbm>>
      tpu.wait_dma2 semaphore(%run_scoped3A : memref<!tpu.dma_semaphore, #tpu.memory_space<semaphore_mem>>) src(%dma_wait3A_117 : memref<512xi32, #tpu.memory_space<hbm>>) dst(%arg5 : memref<512xi32, #tpu.memory_space<vmem>>)
      tpu.yield
    }) : () -> ()
    %mul3A_33 = arith.constant 512 : i32
    %mul3A_34 = arith.muli %add3A, %mul3A_33 : i32
    %dma_start3A = arith.constant 0 : i32
    %dma_start3A_35 = tpu.memref_slice %arg5[%dma_start3A] : memref<512xi32, #tpu.memory_space<vmem>> -> memref<8xi32, #tpu.memory_space<vmem>>
    %dma_start3A_36 = arith.constant 0 : i32
    %dma_start3A_37 = arith.constant 0 : i32
    %dma_start3A_38 = tpu.memref_slice %arg3[%dma_start3A_36, %dma_start3A_37] : memref<100000x1024xf32, #tpu.memory_space<hbm>> -> memref<100000x1024xf32, #tpu.memory_space<hbm>>
    tpu.enqueue_indirect_dma source(%dma_start3A_38 : memref<100000x1024xf32, #tpu.memory_space<hbm>>) target(%arg6 : memref<8x1024xf32, #tpu.memory_space<vmem>>) offsets(%dma_start3A_35 : memref<8xi32, #tpu.memory_space<vmem>>) semaphore(%arg14 : memref<!tpu.dma_semaphore, #tpu.memory_space<semaphore_mem>>)
    %dma_start3A_39 = arith.constant 8 : i32
    %dma_start3A_40 = tpu.memref_slice %arg5[%dma_start3A_39] : memref<512xi32, #tpu.memory_space<vmem>> -> memref<8xi32, #tpu.memory_space<vmem>>
    %dma_start3A_41 = arith.constant 0 : i32
    %dma_start3A_42 = arith.constant 0 : i32
    %dma_start3A_43 = tpu.memref_slice %arg3[%dma_start3A_41, %dma_start3A_42] : memref<100000x1024xf32, #tpu.memory_space<hbm>> -> memref<100000x1024xf32, #tpu.memory_space<hbm>>
    tpu.enqueue_indirect_dma source(%dma_start3A_43 : memref<100000x1024xf32, #tpu.memory_space<hbm>>) target(%arg7 : memref<8x1024xf32, #tpu.memory_space<vmem>>) offsets(%dma_start3A_40 : memref<8xi32, #tpu.memory_space<vmem>>) semaphore(%arg15 : memref<!tpu.dma_semaphore, #tpu.memory_space<semaphore_mem>>)
    %dma_start3A_44 = arith.constant 16 : i32
    %dma_start3A_45 = tpu.memref_slice %arg5[%dma_start3A_44] : memref<512xi32, #tpu.memory_space<vmem>> -> memref<8xi32, #tpu.memory_space<vmem>>
    %dma_start3A_46 = arith.constant 0 : i32
    %dma_start3A_47 = arith.constant 0 : i32
    %dma_start3A_48 = tpu.memref_slice %arg3[%dma_start3A_46, %dma_start3A_47] : memref<100000x1024xf32, #tpu.memory_space<hbm>> -> memref<100000x1024xf32, #tpu.memory_space<hbm>>
    tpu.enqueue_indirect_dma source(%dma_start3A_48 : memref<100000x1024xf32, #tpu.memory_space<hbm>>) target(%arg8 : memref<8x1024xf32, #tpu.memory_space<vmem>>) offsets(%dma_start3A_45 : memref<8xi32, #tpu.memory_space<vmem>>) semaphore(%arg16 : memref<!tpu.dma_semaphore, #tpu.memory_space<semaphore_mem>>)
    %dma_start3A_49 = arith.constant 24 : i32
    %dma_start3A_50 = tpu.memref_slice %arg5[%dma_start3A_49] : memref<512xi32, #tpu.memory_space<vmem>> -> memref<8xi32, #tpu.memory_space<vmem>>
    %dma_start3A_51 = arith.constant 0 : i32
    %dma_start3A_52 = arith.constant 0 : i32
    %dma_start3A_53 = tpu.memref_slice %arg3[%dma_start3A_51, %dma_start3A_52] : memref<100000x1024xf32, #tpu.memory_space<hbm>> -> memref<100000x1024xf32, #tpu.memory_space<hbm>>
    tpu.enqueue_indirect_dma source(%dma_start3A_53 : memref<100000x1024xf32, #tpu.memory_space<hbm>>) target(%arg9 : memref<8x1024xf32, #tpu.memory_space<vmem>>) offsets(%dma_start3A_50 : memref<8xi32, #tpu.memory_space<vmem>>) semaphore(%arg17 : memref<!tpu.dma_semaphore, #tpu.memory_space<semaphore_mem>>)
    %dma_start3A_54 = arith.constant 32 : i32
    %dma_start3A_55 = tpu.memref_slice %arg5[%dma_start3A_54] : memref<512xi32, #tpu.memory_space<vmem>> -> memref<8xi32, #tpu.memory_space<vmem>>
    %dma_start3A_56 = arith.constant 0 : i32
    %dma_start3A_57 = arith.constant 0 : i32
    %dma_start3A_58 = tpu.memref_slice %arg3[%dma_start3A_56, %dma_start3A_57] : memref<100000x1024xf32, #tpu.memory_space<hbm>> -> memref<100000x1024xf32, #tpu.memory_space<hbm>>
    tpu.enqueue_indirect_dma source(%dma_start3A_58 : memref<100000x1024xf32, #tpu.memory_space<hbm>>) target(%arg10 : memref<8x1024xf32, #tpu.memory_space<vmem>>) offsets(%dma_start3A_55 : memref<8xi32, #tpu.memory_space<vmem>>) semaphore(%arg18 : memref<!tpu.dma_semaphore, #tpu.memory_space<semaphore_mem>>)
    %dma_start3A_59 = arith.constant 40 : i32
    %dma_start3A_60 = tpu.memref_slice %arg5[%dma_start3A_59] : memref<512xi32, #tpu.memory_space<vmem>> -> memref<8xi32, #tpu.memory_space<vmem>>
    %dma_start3A_61 = arith.constant 0 : i32
    %dma_start3A_62 = arith.constant 0 : i32
    %dma_start3A_63 = tpu.memref_slice %arg3[%dma_start3A_61, %dma_start3A_62] : memref<100000x1024xf32, #tpu.memory_space<hbm>> -> memref<100000x1024xf32, #tpu.memory_space<hbm>>
    tpu.enqueue_indirect_dma source(%dma_start3A_63 : memref<100000x1024xf32, #tpu.memory_space<hbm>>) target(%arg11 : memref<8x1024xf32, #tpu.memory_space<vmem>>) offsets(%dma_start3A_60 : memref<8xi32, #tpu.memory_space<vmem>>) semaphore(%arg19 : memref<!tpu.dma_semaphore, #tpu.memory_space<semaphore_mem>>)
    %dma_start3A_64 = arith.constant 48 : i32
    %dma_start3A_65 = tpu.memref_slice %arg5[%dma_start3A_64] : memref<512xi32, #tpu.memory_space<vmem>> -> memref<8xi32, #tpu.memory_space<vmem>>
    %dma_start3A_66 = arith.constant 0 : i32
    %dma_start3A_67 = arith.constant 0 : i32
    %dma_start3A_68 = tpu.memref_slice %arg3[%dma_start3A_66, %dma_start3A_67] : memref<100000x1024xf32, #tpu.memory_space<hbm>> -> memref<100000x1024xf32, #tpu.memory_space<hbm>>
    tpu.enqueue_indirect_dma source(%dma_start3A_68 : memref<100000x1024xf32, #tpu.memory_space<hbm>>) target(%arg12 : memref<8x1024xf32, #tpu.memory_space<vmem>>) offsets(%dma_start3A_65 : memref<8xi32, #tpu.memory_space<vmem>>) semaphore(%arg20 : memref<!tpu.dma_semaphore, #tpu.memory_space<semaphore_mem>>)
    %dma_start3A_69 = arith.constant 56 : i32
    %dma_start3A_70 = tpu.memref_slice %arg5[%dma_start3A_69] : memref<512xi32, #tpu.memory_space<vmem>> -> memref<8xi32, #tpu.memory_space<vmem>>
    %dma_start3A_71 = arith.constant 0 : i32
    %dma_start3A_72 = arith.constant 0 : i32
    %dma_start3A_73 = tpu.memref_slice %arg3[%dma_start3A_71, %dma_start3A_72] : memref<100000x1024xf32, #tpu.memory_space<hbm>> -> memref<100000x1024xf32, #tpu.memory_space<hbm>>
    tpu.enqueue_indirect_dma source(%dma_start3A_73 : memref<100000x1024xf32, #tpu.memory_space<hbm>>) target(%arg13 : memref<8x1024xf32, #tpu.memory_space<vmem>>) offsets(%dma_start3A_70 : memref<8xi32, #tpu.memory_space<vmem>>) semaphore(%arg21 : memref<!tpu.dma_semaphore, #tpu.memory_space<semaphore_mem>>)
    %scan3A = arith.constant 0 : i32
    %scan3A_74 = arith.constant 0 : i32
    %scan3A_75 = arith.constant 8 : i32
    %scan3A_76 = arith.addi %scan3A_74, %scan3A_75 : i32
    %scan3A_77 = arith.constant 1 : i32
    scf.for %scan3A_110 = %scan3A_74 to %scan3A_76 step %scan3A_77  : i32 {
      %mul3A_111 = arith.constant 8 : i32
      %mul3A_112 = arith.muli %scan3A_110, %mul3A_111 : i32
      %add3A_113 = arith.constant 0 : i32
      %add3A_114 = arith.addi %mul3A_112, %add3A_113 : i32
      %add3A_115 = arith.constant 8 : i32
      %add3A_116 = arith.addi %add3A_114, %add3A_115 : i32
      %dma_wait3A_117 = arith.constant 0 : i32
      %dma_wait3A_118 = tpu.memref_slice %arg5[%dma_wait3A_117] : memref<512xi32, #tpu.memory_space<vmem>> -> memref<8xi32, #tpu.memory_space<vmem>>
      %dma_wait3A_119 = arith.constant 0 : i32
      %dma_wait3A_120 = arith.constant 0 : i32
      %dma_wait3A_121 = tpu.memref_slice %arg3[%dma_wait3A_119, %dma_wait3A_120] : memref<100000x1024xf32, #tpu.memory_space<hbm>> -> memref<100000x1024xf32, #tpu.memory_space<hbm>>
      tpu.wait_indirect_dma semaphore(%arg14 : memref<!tpu.dma_semaphore, #tpu.memory_space<semaphore_mem>>) src(%dma_wait3A_121 : memref<100000x1024xf32, #tpu.memory_space<hbm>>) dst(%arg6 : memref<8x1024xf32, #tpu.memory_space<vmem>>)
      %mul3A_122 = arith.constant 8 : i32
      %mul3A_123 = arith.muli %add3A_114, %mul3A_122 : i32
      %add3A_124 = arith.addi %mul3A_34, %mul3A_123 : i32
      %dma_start3A_125 = arith.constant 0 : i32
      %dma_start3A_126 = tpu.memref_slice %arg4[%add3A_124, %dma_start3A_125] : memref<16384x1024xf32, #tpu.memory_space<hbm>> -> memref<8x1024xf32, #tpu.memory_space<hbm>>
      %dma_start3A_127 = arith.constant 0 : i32
      %dma_start3A_128 = tpu.memref_slice %arg4[%add3A_124, %dma_start3A_127] : memref<16384x1024xf32, #tpu.memory_space<hbm>> -> memref<8x1024xf32, #tpu.memory_space<hbm>>
      tpu.enqueue_dma source(%arg6 : memref<8x1024xf32, #tpu.memory_space<vmem>>) target(%dma_start3A_128 : memref<8x1024xf32, #tpu.memory_space<hbm>>) target_semaphore(%arg22 : memref<!tpu.dma_semaphore, #tpu.memory_space<semaphore_mem>>)
      %lt3A_129 = arith.constant 64 : i32
      %lt3A_130 = arith.cmpi slt, %add3A_116, %lt3A_129 : i32
      %convert_element_type3A = arith.extui %lt3A_130 : i1 to i32
      %cond3A = arith.constant 0 : i32
      %cond3A_131 = arith.cmpi ne, %convert_element_type3A, %cond3A : i32
      scf.if %cond3A_131 {
        %dma_wait3A_293 = arith.constant 0 : i32
        %dma_wait3A_294 = tpu.memref_slice %arg4[%mul3A_34, %dma_wait3A_293] : memref<16384x1024xf32, #tpu.memory_space<hbm>> -> memref<8x1024xf32, #tpu.memory_space<hbm>>
        %dma_wait3A_295 = arith.constant 0 : i32
        %dma_wait3A_296 = tpu.memref_slice %arg4[%mul3A_34, %dma_wait3A_295] : memref<16384x1024xf32, #tpu.memory_space<hbm>> -> memref<8x1024xf32, #tpu.memory_space<hbm>>
        tpu.wait_dma2 semaphore(%arg22 : memref<!tpu.dma_semaphore, #tpu.memory_space<semaphore_mem>>) src(%arg6 : memref<8x1024xf32, #tpu.memory_space<vmem>>) dst(%dma_wait3A_296 : memref<8x1024xf32, #tpu.memory_space<hbm>>)
        %mul3A_297 = arith.constant 8 : i32
        %mul3A_298 = arith.muli %add3A_116, %mul3A_297 : i32
        %dma_start3A_299 = tpu.memref_slice %arg5[%mul3A_298] : memref<512xi32, #tpu.memory_space<vmem>> -> memref<8xi32, #tpu.memory_space<vmem>>
        %dma_start3A_300 = arith.constant 0 : i32
        %dma_start3A_301 = arith.constant 0 : i32
        %dma_start3A_302 = tpu.memref_slice %arg3[%dma_start3A_300, %dma_start3A_301] : memref<100000x1024xf32, #tpu.memory_space<hbm>> -> memref<100000x1024xf32, #tpu.memory_space<hbm>>
        tpu.enqueue_indirect_dma source(%dma_start3A_302 : memref<100000x1024xf32, #tpu.memory_space<hbm>>) target(%arg6 : memref<8x1024xf32, #tpu.memory_space<vmem>>) offsets(%dma_start3A_299 : memref<8xi32, #tpu.memory_space<vmem>>) semaphore(%arg14 : memref<!tpu.dma_semaphore, #tpu.memory_space<semaphore_mem>>)
      } else {
      }
      %mul3A_132 = arith.constant 8 : i32
      %mul3A_133 = arith.muli %scan3A_110, %mul3A_132 : i32
      %add3A_134 = arith.constant 1 : i32
      %add3A_135 = arith.addi %mul3A_133, %add3A_134 : i32
      %add3A_136 = arith.constant 8 : i32
      %add3A_137 = arith.addi %add3A_135, %add3A_136 : i32
      %dma_wait3A_138 = arith.constant 0 : i32
      %dma_wait3A_139 = tpu.memref_slice %arg5[%dma_wait3A_138] : memref<512xi32, #tpu.memory_space<vmem>> -> memref<8xi32, #tpu.memory_space<vmem>>
      %dma_wait3A_140 = arith.constant 0 : i32
      %dma_wait3A_141 = arith.constant 0 : i32
      %dma_wait3A_142 = tpu.memref_slice %arg3[%dma_wait3A_140, %dma_wait3A_141] : memref<100000x1024xf32, #tpu.memory_space<hbm>> -> memref<100000x1024xf32, #tpu.memory_space<hbm>>
      tpu.wait_indirect_dma semaphore(%arg15 : memref<!tpu.dma_semaphore, #tpu.memory_space<semaphore_mem>>) src(%dma_wait3A_142 : memref<100000x1024xf32, #tpu.memory_space<hbm>>) dst(%arg7 : memref<8x1024xf32, #tpu.memory_space<vmem>>)
      %mul3A_143 = arith.constant 8 : i32
      %mul3A_144 = arith.muli %add3A_135, %mul3A_143 : i32
      %add3A_145 = arith.addi %mul3A_34, %mul3A_144 : i32
      %dma_start3A_146 = arith.constant 0 : i32
      %dma_start3A_147 = tpu.memref_slice %arg4[%add3A_145, %dma_start3A_146] : memref<16384x1024xf32, #tpu.memory_space<hbm>> -> memref<8x1024xf32, #tpu.memory_space<hbm>>
      %dma_start3A_148 = arith.constant 0 : i32
      %dma_start3A_149 = tpu.memref_slice %arg4[%add3A_145, %dma_start3A_148] : memref<16384x1024xf32, #tpu.memory_space<hbm>> -> memref<8x1024xf32, #tpu.memory_space<hbm>>
      tpu.enqueue_dma source(%arg7 : memref<8x1024xf32, #tpu.memory_space<vmem>>) target(%dma_start3A_149 : memref<8x1024xf32, #tpu.memory_space<hbm>>) target_semaphore(%arg23 : memref<!tpu.dma_semaphore, #tpu.memory_space<semaphore_mem>>)
      %lt3A_150 = arith.constant 64 : i32
      %lt3A_151 = arith.cmpi slt, %add3A_137, %lt3A_150 : i32
      %convert_element_type3A_152 = arith.extui %lt3A_151 : i1 to i32
      %cond3A_153 = arith.constant 0 : i32
      %cond3A_154 = arith.cmpi ne, %convert_element_type3A_152, %cond3A_153 : i32
      scf.if %cond3A_154 {
        %dma_wait3A_293 = arith.constant 0 : i32
        %dma_wait3A_294 = tpu.memref_slice %arg4[%mul3A_34, %dma_wait3A_293] : memref<16384x1024xf32, #tpu.memory_space<hbm>> -> memref<8x1024xf32, #tpu.memory_space<hbm>>
        %dma_wait3A_295 = arith.constant 0 : i32
        %dma_wait3A_296 = tpu.memref_slice %arg4[%mul3A_34, %dma_wait3A_295] : memref<16384x1024xf32, #tpu.memory_space<hbm>> -> memref<8x1024xf32, #tpu.memory_space<hbm>>
        tpu.wait_dma2 semaphore(%arg23 : memref<!tpu.dma_semaphore, #tpu.memory_space<semaphore_mem>>) src(%arg7 : memref<8x1024xf32, #tpu.memory_space<vmem>>) dst(%dma_wait3A_296 : memref<8x1024xf32, #tpu.memory_space<hbm>>)
        %mul3A_297 = arith.constant 8 : i32
        %mul3A_298 = arith.muli %add3A_137, %mul3A_297 : i32
        %dma_start3A_299 = tpu.memref_slice %arg5[%mul3A_298] : memref<512xi32, #tpu.memory_space<vmem>> -> memref<8xi32, #tpu.memory_space<vmem>>
        %dma_start3A_300 = arith.constant 0 : i32
        %dma_start3A_301 = arith.constant 0 : i32
        %dma_start3A_302 = tpu.memref_slice %arg3[%dma_start3A_300, %dma_start3A_301] : memref<100000x1024xf32, #tpu.memory_space<hbm>> -> memref<100000x1024xf32, #tpu.memory_space<hbm>>
        tpu.enqueue_indirect_dma source(%dma_start3A_302 : memref<100000x1024xf32, #tpu.memory_space<hbm>>) target(%arg7 : memref<8x1024xf32, #tpu.memory_space<vmem>>) offsets(%dma_start3A_299 : memref<8xi32, #tpu.memory_space<vmem>>) semaphore(%arg15 : memref<!tpu.dma_semaphore, #tpu.memory_space<semaphore_mem>>)
      } else {
      }
      %mul3A_155 = arith.constant 8 : i32
      %mul3A_156 = arith.muli %scan3A_110, %mul3A_155 : i32
      %add3A_157 = arith.constant 2 : i32
      %add3A_158 = arith.addi %mul3A_156, %add3A_157 : i32
      %add3A_159 = arith.constant 8 : i32
      %add3A_160 = arith.addi %add3A_158, %add3A_159 : i32
      %dma_wait3A_161 = arith.constant 0 : i32
      %dma_wait3A_162 = tpu.memref_slice %arg5[%dma_wait3A_161] : memref<512xi32, #tpu.memory_space<vmem>> -> memref<8xi32, #tpu.memory_space<vmem>>
      %dma_wait3A_163 = arith.constant 0 : i32
      %dma_wait3A_164 = arith.constant 0 : i32
      %dma_wait3A_165 = tpu.memref_slice %arg3[%dma_wait3A_163, %dma_wait3A_164] : memref<100000x1024xf32, #tpu.memory_space<hbm>> -> memref<100000x1024xf32, #tpu.memory_space<hbm>>
      tpu.wait_indirect_dma semaphore(%arg16 : memref<!tpu.dma_semaphore, #tpu.memory_space<semaphore_mem>>) src(%dma_wait3A_165 : memref<100000x1024xf32, #tpu.memory_space<hbm>>) dst(%arg8 : memref<8x1024xf32, #tpu.memory_space<vmem>>)
      %mul3A_166 = arith.constant 8 : i32
      %mul3A_167 = arith.muli %add3A_158, %mul3A_166 : i32
      %add3A_168 = arith.addi %mul3A_34, %mul3A_167 : i32
      %dma_start3A_169 = arith.constant 0 : i32
      %dma_start3A_170 = tpu.memref_slice %arg4[%add3A_168, %dma_start3A_169] : memref<16384x1024xf32, #tpu.memory_space<hbm>> -> memref<8x1024xf32, #tpu.memory_space<hbm>>
      %dma_start3A_171 = arith.constant 0 : i32
      %dma_start3A_172 = tpu.memref_slice %arg4[%add3A_168, %dma_start3A_171] : memref<16384x1024xf32, #tpu.memory_space<hbm>> -> memref<8x1024xf32, #tpu.memory_space<hbm>>
      tpu.enqueue_dma source(%arg8 : memref<8x1024xf32, #tpu.memory_space<vmem>>) target(%dma_start3A_172 : memref<8x1024xf32, #tpu.memory_space<hbm>>) target_semaphore(%arg24 : memref<!tpu.dma_semaphore, #tpu.memory_space<semaphore_mem>>)
      %lt3A_173 = arith.constant 64 : i32
      %lt3A_174 = arith.cmpi slt, %add3A_160, %lt3A_173 : i32
      %convert_element_type3A_175 = arith.extui %lt3A_174 : i1 to i32
      %cond3A_176 = arith.constant 0 : i32
      %cond3A_177 = arith.cmpi ne, %convert_element_type3A_175, %cond3A_176 : i32
      scf.if %cond3A_177 {
        %dma_wait3A_293 = arith.constant 0 : i32
        %dma_wait3A_294 = tpu.memref_slice %arg4[%mul3A_34, %dma_wait3A_293] : memref<16384x1024xf32, #tpu.memory_space<hbm>> -> memref<8x1024xf32, #tpu.memory_space<hbm>>
        %dma_wait3A_295 = arith.constant 0 : i32
        %dma_wait3A_296 = tpu.memref_slice %arg4[%mul3A_34, %dma_wait3A_295] : memref<16384x1024xf32, #tpu.memory_space<hbm>> -> memref<8x1024xf32, #tpu.memory_space<hbm>>
        tpu.wait_dma2 semaphore(%arg24 : memref<!tpu.dma_semaphore, #tpu.memory_space<semaphore_mem>>) src(%arg8 : memref<8x1024xf32, #tpu.memory_space<vmem>>) dst(%dma_wait3A_296 : memref<8x1024xf32, #tpu.memory_space<hbm>>)
        %mul3A_297 = arith.constant 8 : i32
        %mul3A_298 = arith.muli %add3A_160, %mul3A_297 : i32
        %dma_start3A_299 = tpu.memref_slice %arg5[%mul3A_298] : memref<512xi32, #tpu.memory_space<vmem>> -> memref<8xi32, #tpu.memory_space<vmem>>
        %dma_start3A_300 = arith.constant 0 : i32
        %dma_start3A_301 = arith.constant 0 : i32
        %dma_start3A_302 = tpu.memref_slice %arg3[%dma_start3A_300, %dma_start3A_301] : memref<100000x1024xf32, #tpu.memory_space<hbm>> -> memref<100000x1024xf32, #tpu.memory_space<hbm>>
        tpu.enqueue_indirect_dma source(%dma_start3A_302 : memref<100000x1024xf32, #tpu.memory_space<hbm>>) target(%arg8 : memref<8x1024xf32, #tpu.memory_space<vmem>>) offsets(%dma_start3A_299 : memref<8xi32, #tpu.memory_space<vmem>>) semaphore(%arg16 : memref<!tpu.dma_semaphore, #tpu.memory_space<semaphore_mem>>)
      } else {
      }
      %mul3A_178 = arith.constant 8 : i32
      %mul3A_179 = arith.muli %scan3A_110, %mul3A_178 : i32
      %add3A_180 = arith.constant 3 : i32
      %add3A_181 = arith.addi %mul3A_179, %add3A_180 : i32
      %add3A_182 = arith.constant 8 : i32
      %add3A_183 = arith.addi %add3A_181, %add3A_182 : i32
      %dma_wait3A_184 = arith.constant 0 : i32
      %dma_wait3A_185 = tpu.memref_slice %arg5[%dma_wait3A_184] : memref<512xi32, #tpu.memory_space<vmem>> -> memref<8xi32, #tpu.memory_space<vmem>>
      %dma_wait3A_186 = arith.constant 0 : i32
      %dma_wait3A_187 = arith.constant 0 : i32
      %dma_wait3A_188 = tpu.memref_slice %arg3[%dma_wait3A_186, %dma_wait3A_187] : memref<100000x1024xf32, #tpu.memory_space<hbm>> -> memref<100000x1024xf32, #tpu.memory_space<hbm>>
      tpu.wait_indirect_dma semaphore(%arg17 : memref<!tpu.dma_semaphore, #tpu.memory_space<semaphore_mem>>) src(%dma_wait3A_188 : memref<100000x1024xf32, #tpu.memory_space<hbm>>) dst(%arg9 : memref<8x1024xf32, #tpu.memory_space<vmem>>)
      %mul3A_189 = arith.constant 8 : i32
      %mul3A_190 = arith.muli %add3A_181, %mul3A_189 : i32
      %add3A_191 = arith.addi %mul3A_34, %mul3A_190 : i32
      %dma_start3A_192 = arith.constant 0 : i32
      %dma_start3A_193 = tpu.memref_slice %arg4[%add3A_191, %dma_start3A_192] : memref<16384x1024xf32, #tpu.memory_space<hbm>> -> memref<8x1024xf32, #tpu.memory_space<hbm>>
      %dma_start3A_194 = arith.constant 0 : i32
      %dma_start3A_195 = tpu.memref_slice %arg4[%add3A_191, %dma_start3A_194] : memref<16384x1024xf32, #tpu.memory_space<hbm>> -> memref<8x1024xf32, #tpu.memory_space<hbm>>
      tpu.enqueue_dma source(%arg9 : memref<8x1024xf32, #tpu.memory_space<vmem>>) target(%dma_start3A_195 : memref<8x1024xf32, #tpu.memory_space<hbm>>) target_semaphore(%arg25 : memref<!tpu.dma_semaphore, #tpu.memory_space<semaphore_mem>>)
      %lt3A_196 = arith.constant 64 : i32
      %lt3A_197 = arith.cmpi slt, %add3A_183, %lt3A_196 : i32
      %convert_element_type3A_198 = arith.extui %lt3A_197 : i1 to i32
      %cond3A_199 = arith.constant 0 : i32
      %cond3A_200 = arith.cmpi ne, %convert_element_type3A_198, %cond3A_199 : i32
      scf.if %cond3A_200 {
        %dma_wait3A_293 = arith.constant 0 : i32
        %dma_wait3A_294 = tpu.memref_slice %arg4[%mul3A_34, %dma_wait3A_293] : memref<16384x1024xf32, #tpu.memory_space<hbm>> -> memref<8x1024xf32, #tpu.memory_space<hbm>>
        %dma_wait3A_295 = arith.constant 0 : i32
        %dma_wait3A_296 = tpu.memref_slice %arg4[%mul3A_34, %dma_wait3A_295] : memref<16384x1024xf32, #tpu.memory_space<hbm>> -> memref<8x1024xf32, #tpu.memory_space<hbm>>
        tpu.wait_dma2 semaphore(%arg25 : memref<!tpu.dma_semaphore, #tpu.memory_space<semaphore_mem>>) src(%arg9 : memref<8x1024xf32, #tpu.memory_space<vmem>>) dst(%dma_wait3A_296 : memref<8x1024xf32, #tpu.memory_space<hbm>>)
        %mul3A_297 = arith.constant 8 : i32
        %mul3A_298 = arith.muli %add3A_183, %mul3A_297 : i32
        %dma_start3A_299 = tpu.memref_slice %arg5[%mul3A_298] : memref<512xi32, #tpu.memory_space<vmem>> -> memref<8xi32, #tpu.memory_space<vmem>>
        %dma_start3A_300 = arith.constant 0 : i32
        %dma_start3A_301 = arith.constant 0 : i32
        %dma_start3A_302 = tpu.memref_slice %arg3[%dma_start3A_300, %dma_start3A_301] : memref<100000x1024xf32, #tpu.memory_space<hbm>> -> memref<100000x1024xf32, #tpu.memory_space<hbm>>
        tpu.enqueue_indirect_dma source(%dma_start3A_302 : memref<100000x1024xf32, #tpu.memory_space<hbm>>) target(%arg9 : memref<8x1024xf32, #tpu.memory_space<vmem>>) offsets(%dma_start3A_299 : memref<8xi32, #tpu.memory_space<vmem>>) semaphore(%arg17 : memref<!tpu.dma_semaphore, #tpu.memory_space<semaphore_mem>>)
      } else {
      }
      %mul3A_201 = arith.constant 8 : i32
      %mul3A_202 = arith.muli %scan3A_110, %mul3A_201 : i32
      %add3A_203 = arith.constant 4 : i32
      %add3A_204 = arith.addi %mul3A_202, %add3A_203 : i32
      %add3A_205 = arith.constant 8 : i32
      %add3A_206 = arith.addi %add3A_204, %add3A_205 : i32
      %dma_wait3A_207 = arith.constant 0 : i32
      %dma_wait3A_208 = tpu.memref_slice %arg5[%dma_wait3A_207] : memref<512xi32, #tpu.memory_space<vmem>> -> memref<8xi32, #tpu.memory_space<vmem>>
      %dma_wait3A_209 = arith.constant 0 : i32
      %dma_wait3A_210 = arith.constant 0 : i32
      %dma_wait3A_211 = tpu.memref_slice %arg3[%dma_wait3A_209, %dma_wait3A_210] : memref<100000x1024xf32, #tpu.memory_space<hbm>> -> memref<100000x1024xf32, #tpu.memory_space<hbm>>
      tpu.wait_indirect_dma semaphore(%arg18 : memref<!tpu.dma_semaphore, #tpu.memory_space<semaphore_mem>>) src(%dma_wait3A_211 : memref<100000x1024xf32, #tpu.memory_space<hbm>>) dst(%arg10 : memref<8x1024xf32, #tpu.memory_space<vmem>>)
      %mul3A_212 = arith.constant 8 : i32
      %mul3A_213 = arith.muli %add3A_204, %mul3A_212 : i32
      %add3A_214 = arith.addi %mul3A_34, %mul3A_213 : i32
      %dma_start3A_215 = arith.constant 0 : i32
      %dma_start3A_216 = tpu.memref_slice %arg4[%add3A_214, %dma_start3A_215] : memref<16384x1024xf32, #tpu.memory_space<hbm>> -> memref<8x1024xf32, #tpu.memory_space<hbm>>
      %dma_start3A_217 = arith.constant 0 : i32
      %dma_start3A_218 = tpu.memref_slice %arg4[%add3A_214, %dma_start3A_217] : memref<16384x1024xf32, #tpu.memory_space<hbm>> -> memref<8x1024xf32, #tpu.memory_space<hbm>>
      tpu.enqueue_dma source(%arg10 : memref<8x1024xf32, #tpu.memory_space<vmem>>) target(%dma_start3A_218 : memref<8x1024xf32, #tpu.memory_space<hbm>>) target_semaphore(%arg26 : memref<!tpu.dma_semaphore, #tpu.memory_space<semaphore_mem>>)
      %lt3A_219 = arith.constant 64 : i32
      %lt3A_220 = arith.cmpi slt, %add3A_206, %lt3A_219 : i32
      %convert_element_type3A_221 = arith.extui %lt3A_220 : i1 to i32
      %cond3A_222 = arith.constant 0 : i32
      %cond3A_223 = arith.cmpi ne, %convert_element_type3A_221, %cond3A_222 : i32
      scf.if %cond3A_223 {
        %dma_wait3A_293 = arith.constant 0 : i32
        %dma_wait3A_294 = tpu.memref_slice %arg4[%mul3A_34, %dma_wait3A_293] : memref<16384x1024xf32, #tpu.memory_space<hbm>> -> memref<8x1024xf32, #tpu.memory_space<hbm>>
        %dma_wait3A_295 = arith.constant 0 : i32
        %dma_wait3A_296 = tpu.memref_slice %arg4[%mul3A_34, %dma_wait3A_295] : memref<16384x1024xf32, #tpu.memory_space<hbm>> -> memref<8x1024xf32, #tpu.memory_space<hbm>>
        tpu.wait_dma2 semaphore(%arg26 : memref<!tpu.dma_semaphore, #tpu.memory_space<semaphore_mem>>) src(%arg10 : memref<8x1024xf32, #tpu.memory_space<vmem>>) dst(%dma_wait3A_296 : memref<8x1024xf32, #tpu.memory_space<hbm>>)
        %mul3A_297 = arith.constant 8 : i32
        %mul3A_298 = arith.muli %add3A_206, %mul3A_297 : i32
        %dma_start3A_299 = tpu.memref_slice %arg5[%mul3A_298] : memref<512xi32, #tpu.memory_space<vmem>> -> memref<8xi32, #tpu.memory_space<vmem>>
        %dma_start3A_300 = arith.constant 0 : i32
        %dma_start3A_301 = arith.constant 0 : i32
        %dma_start3A_302 = tpu.memref_slice %arg3[%dma_start3A_300, %dma_start3A_301] : memref<100000x1024xf32, #tpu.memory_space<hbm>> -> memref<100000x1024xf32, #tpu.memory_space<hbm>>
        tpu.enqueue_indirect_dma source(%dma_start3A_302 : memref<100000x1024xf32, #tpu.memory_space<hbm>>) target(%arg10 : memref<8x1024xf32, #tpu.memory_space<vmem>>) offsets(%dma_start3A_299 : memref<8xi32, #tpu.memory_space<vmem>>) semaphore(%arg18 : memref<!tpu.dma_semaphore, #tpu.memory_space<semaphore_mem>>)
      } else {
      }
      %mul3A_224 = arith.constant 8 : i32
      %mul3A_225 = arith.muli %scan3A_110, %mul3A_224 : i32
      %add3A_226 = arith.constant 5 : i32
      %add3A_227 = arith.addi %mul3A_225, %add3A_226 : i32
      %add3A_228 = arith.constant 8 : i32
      %add3A_229 = arith.addi %add3A_227, %add3A_228 : i32
      %dma_wait3A_230 = arith.constant 0 : i32
      %dma_wait3A_231 = tpu.memref_slice %arg5[%dma_wait3A_230] : memref<512xi32, #tpu.memory_space<vmem>> -> memref<8xi32, #tpu.memory_space<vmem>>
      %dma_wait3A_232 = arith.constant 0 : i32
      %dma_wait3A_233 = arith.constant 0 : i32
      %dma_wait3A_234 = tpu.memref_slice %arg3[%dma_wait3A_232, %dma_wait3A_233] : memref<100000x1024xf32, #tpu.memory_space<hbm>> -> memref<100000x1024xf32, #tpu.memory_space<hbm>>
      tpu.wait_indirect_dma semaphore(%arg19 : memref<!tpu.dma_semaphore, #tpu.memory_space<semaphore_mem>>) src(%dma_wait3A_234 : memref<100000x1024xf32, #tpu.memory_space<hbm>>) dst(%arg11 : memref<8x1024xf32, #tpu.memory_space<vmem>>)
      %mul3A_235 = arith.constant 8 : i32
      %mul3A_236 = arith.muli %add3A_227, %mul3A_235 : i32
      %add3A_237 = arith.addi %mul3A_34, %mul3A_236 : i32
      %dma_start3A_238 = arith.constant 0 : i32
      %dma_start3A_239 = tpu.memref_slice %arg4[%add3A_237, %dma_start3A_238] : memref<16384x1024xf32, #tpu.memory_space<hbm>> -> memref<8x1024xf32, #tpu.memory_space<hbm>>
      %dma_start3A_240 = arith.constant 0 : i32
      %dma_start3A_241 = tpu.memref_slice %arg4[%add3A_237, %dma_start3A_240] : memref<16384x1024xf32, #tpu.memory_space<hbm>> -> memref<8x1024xf32, #tpu.memory_space<hbm>>
      tpu.enqueue_dma source(%arg11 : memref<8x1024xf32, #tpu.memory_space<vmem>>) target(%dma_start3A_241 : memref<8x1024xf32, #tpu.memory_space<hbm>>) target_semaphore(%arg27 : memref<!tpu.dma_semaphore, #tpu.memory_space<semaphore_mem>>)
      %lt3A_242 = arith.constant 64 : i32
      %lt3A_243 = arith.cmpi slt, %add3A_229, %lt3A_242 : i32
      %convert_element_type3A_244 = arith.extui %lt3A_243 : i1 to i32
      %cond3A_245 = arith.constant 0 : i32
      %cond3A_246 = arith.cmpi ne, %convert_element_type3A_244, %cond3A_245 : i32
      scf.if %cond3A_246 {
        %dma_wait3A_293 = arith.constant 0 : i32
        %dma_wait3A_294 = tpu.memref_slice %arg4[%mul3A_34, %dma_wait3A_293] : memref<16384x1024xf32, #tpu.memory_space<hbm>> -> memref<8x1024xf32, #tpu.memory_space<hbm>>
        %dma_wait3A_295 = arith.constant 0 : i32
        %dma_wait3A_296 = tpu.memref_slice %arg4[%mul3A_34, %dma_wait3A_295] : memref<16384x1024xf32, #tpu.memory_space<hbm>> -> memref<8x1024xf32, #tpu.memory_space<hbm>>
        tpu.wait_dma2 semaphore(%arg27 : memref<!tpu.dma_semaphore, #tpu.memory_space<semaphore_mem>>) src(%arg11 : memref<8x1024xf32, #tpu.memory_space<vmem>>) dst(%dma_wait3A_296 : memref<8x1024xf32, #tpu.memory_space<hbm>>)
        %mul3A_297 = arith.constant 8 : i32
        %mul3A_298 = arith.muli %add3A_229, %mul3A_297 : i32
        %dma_start3A_299 = tpu.memref_slice %arg5[%mul3A_298] : memref<512xi32, #tpu.memory_space<vmem>> -> memref<8xi32, #tpu.memory_space<vmem>>
        %dma_start3A_300 = arith.constant 0 : i32
        %dma_start3A_301 = arith.constant 0 : i32
        %dma_start3A_302 = tpu.memref_slice %arg3[%dma_start3A_300, %dma_start3A_301] : memref<100000x1024xf32, #tpu.memory_space<hbm>> -> memref<100000x1024xf32, #tpu.memory_space<hbm>>
        tpu.enqueue_indirect_dma source(%dma_start3A_302 : memref<100000x1024xf32, #tpu.memory_space<hbm>>) target(%arg11 : memref<8x1024xf32, #tpu.memory_space<vmem>>) offsets(%dma_start3A_299 : memref<8xi32, #tpu.memory_space<vmem>>) semaphore(%arg19 : memref<!tpu.dma_semaphore, #tpu.memory_space<semaphore_mem>>)
      } else {
      }
      %mul3A_247 = arith.constant 8 : i32
      %mul3A_248 = arith.muli %scan3A_110, %mul3A_247 : i32
      %add3A_249 = arith.constant 6 : i32
      %add3A_250 = arith.addi %mul3A_248, %add3A_249 : i32
      %add3A_251 = arith.constant 8 : i32
      %add3A_252 = arith.addi %add3A_250, %add3A_251 : i32
      %dma_wait3A_253 = arith.constant 0 : i32
      %dma_wait3A_254 = tpu.memref_slice %arg5[%dma_wait3A_253] : memref<512xi32, #tpu.memory_space<vmem>> -> memref<8xi32, #tpu.memory_space<vmem>>
      %dma_wait3A_255 = arith.constant 0 : i32
      %dma_wait3A_256 = arith.constant 0 : i32
      %dma_wait3A_257 = tpu.memref_slice %arg3[%dma_wait3A_255, %dma_wait3A_256] : memref<100000x1024xf32, #tpu.memory_space<hbm>> -> memref<100000x1024xf32, #tpu.memory_space<hbm>>
      tpu.wait_indirect_dma semaphore(%arg20 : memref<!tpu.dma_semaphore, #tpu.memory_space<semaphore_mem>>) src(%dma_wait3A_257 : memref<100000x1024xf32, #tpu.memory_space<hbm>>) dst(%arg12 : memref<8x1024xf32, #tpu.memory_space<vmem>>)
      %mul3A_258 = arith.constant 8 : i32
      %mul3A_259 = arith.muli %add3A_250, %mul3A_258 : i32
      %add3A_260 = arith.addi %mul3A_34, %mul3A_259 : i32
      %dma_start3A_261 = arith.constant 0 : i32
      %dma_start3A_262 = tpu.memref_slice %arg4[%add3A_260, %dma_start3A_261] : memref<16384x1024xf32, #tpu.memory_space<hbm>> -> memref<8x1024xf32, #tpu.memory_space<hbm>>
      %dma_start3A_263 = arith.constant 0 : i32
      %dma_start3A_264 = tpu.memref_slice %arg4[%add3A_260, %dma_start3A_263] : memref<16384x1024xf32, #tpu.memory_space<hbm>> -> memref<8x1024xf32, #tpu.memory_space<hbm>>
      tpu.enqueue_dma source(%arg12 : memref<8x1024xf32, #tpu.memory_space<vmem>>) target(%dma_start3A_264 : memref<8x1024xf32, #tpu.memory_space<hbm>>) target_semaphore(%arg28 : memref<!tpu.dma_semaphore, #tpu.memory_space<semaphore_mem>>)
      %lt3A_265 = arith.constant 64 : i32
      %lt3A_266 = arith.cmpi slt, %add3A_252, %lt3A_265 : i32
      %convert_element_type3A_267 = arith.extui %lt3A_266 : i1 to i32
      %cond3A_268 = arith.constant 0 : i32
      %cond3A_269 = arith.cmpi ne, %convert_element_type3A_267, %cond3A_268 : i32
      scf.if %cond3A_269 {
        %dma_wait3A_293 = arith.constant 0 : i32
        %dma_wait3A_294 = tpu.memref_slice %arg4[%mul3A_34, %dma_wait3A_293] : memref<16384x1024xf32, #tpu.memory_space<hbm>> -> memref<8x1024xf32, #tpu.memory_space<hbm>>
        %dma_wait3A_295 = arith.constant 0 : i32
        %dma_wait3A_296 = tpu.memref_slice %arg4[%mul3A_34, %dma_wait3A_295] : memref<16384x1024xf32, #tpu.memory_space<hbm>> -> memref<8x1024xf32, #tpu.memory_space<hbm>>
        tpu.wait_dma2 semaphore(%arg28 : memref<!tpu.dma_semaphore, #tpu.memory_space<semaphore_mem>>) src(%arg12 : memref<8x1024xf32, #tpu.memory_space<vmem>>) dst(%dma_wait3A_296 : memref<8x1024xf32, #tpu.memory_space<hbm>>)
        %mul3A_297 = arith.constant 8 : i32
        %mul3A_298 = arith.muli %add3A_252, %mul3A_297 : i32
        %dma_start3A_299 = tpu.memref_slice %arg5[%mul3A_298] : memref<512xi32, #tpu.memory_space<vmem>> -> memref<8xi32, #tpu.memory_space<vmem>>
        %dma_start3A_300 = arith.constant 0 : i32
        %dma_start3A_301 = arith.constant 0 : i32
        %dma_start3A_302 = tpu.memref_slice %arg3[%dma_start3A_300, %dma_start3A_301] : memref<100000x1024xf32, #tpu.memory_space<hbm>> -> memref<100000x1024xf32, #tpu.memory_space<hbm>>
        tpu.enqueue_indirect_dma source(%dma_start3A_302 : memref<100000x1024xf32, #tpu.memory_space<hbm>>) target(%arg12 : memref<8x1024xf32, #tpu.memory_space<vmem>>) offsets(%dma_start3A_299 : memref<8xi32, #tpu.memory_space<vmem>>) semaphore(%arg20 : memref<!tpu.dma_semaphore, #tpu.memory_space<semaphore_mem>>)
      } else {
      }
      %mul3A_270 = arith.constant 8 : i32
      %mul3A_271 = arith.muli %scan3A_110, %mul3A_270 : i32
      %add3A_272 = arith.constant 7 : i32
      %add3A_273 = arith.addi %mul3A_271, %add3A_272 : i32
      %add3A_274 = arith.constant 8 : i32
      %add3A_275 = arith.addi %add3A_273, %add3A_274 : i32
      %dma_wait3A_276 = arith.constant 0 : i32
      %dma_wait3A_277 = tpu.memref_slice %arg5[%dma_wait3A_276] : memref<512xi32, #tpu.memory_space<vmem>> -> memref<8xi32, #tpu.memory_space<vmem>>
      %dma_wait3A_278 = arith.constant 0 : i32
      %dma_wait3A_279 = arith.constant 0 : i32
      %dma_wait3A_280 = tpu.memref_slice %arg3[%dma_wait3A_278, %dma_wait3A_279] : memref<100000x1024xf32, #tpu.memory_space<hbm>> -> memref<100000x1024xf32, #tpu.memory_space<hbm>>
      tpu.wait_indirect_dma semaphore(%arg21 : memref<!tpu.dma_semaphore, #tpu.memory_space<semaphore_mem>>) src(%dma_wait3A_280 : memref<100000x1024xf32, #tpu.memory_space<hbm>>) dst(%arg13 : memref<8x1024xf32, #tpu.memory_space<vmem>>)
      %mul3A_281 = arith.constant 8 : i32
      %mul3A_282 = arith.muli %add3A_273, %mul3A_281 : i32
      %add3A_283 = arith.addi %mul3A_34, %mul3A_282 : i32
      %dma_start3A_284 = arith.constant 0 : i32
      %dma_start3A_285 = tpu.memref_slice %arg4[%add3A_283, %dma_start3A_284] : memref<16384x1024xf32, #tpu.memory_space<hbm>> -> memref<8x1024xf32, #tpu.memory_space<hbm>>
      %dma_start3A_286 = arith.constant 0 : i32
      %dma_start3A_287 = tpu.memref_slice %arg4[%add3A_283, %dma_start3A_286] : memref<16384x1024xf32, #tpu.memory_space<hbm>> -> memref<8x1024xf32, #tpu.memory_space<hbm>>
      tpu.enqueue_dma source(%arg13 : memref<8x1024xf32, #tpu.memory_space<vmem>>) target(%dma_start3A_287 : memref<8x1024xf32, #tpu.memory_space<hbm>>) target_semaphore(%arg29 : memref<!tpu.dma_semaphore, #tpu.memory_space<semaphore_mem>>)
      %lt3A_288 = arith.constant 64 : i32
      %lt3A_289 = arith.cmpi slt, %add3A_275, %lt3A_288 : i32
      %convert_element_type3A_290 = arith.extui %lt3A_289 : i1 to i32
      %cond3A_291 = arith.constant 0 : i32
      %cond3A_292 = arith.cmpi ne, %convert_element_type3A_290, %cond3A_291 : i32
      scf.if %cond3A_292 {
        %dma_wait3A_293 = arith.constant 0 : i32
        %dma_wait3A_294 = tpu.memref_slice %arg4[%mul3A_34, %dma_wait3A_293] : memref<16384x1024xf32, #tpu.memory_space<hbm>> -> memref<8x1024xf32, #tpu.memory_space<hbm>>
        %dma_wait3A_295 = arith.constant 0 : i32
        %dma_wait3A_296 = tpu.memref_slice %arg4[%mul3A_34, %dma_wait3A_295] : memref<16384x1024xf32, #tpu.memory_space<hbm>> -> memref<8x1024xf32, #tpu.memory_space<hbm>>
        tpu.wait_dma2 semaphore(%arg29 : memref<!tpu.dma_semaphore, #tpu.memory_space<semaphore_mem>>) src(%arg13 : memref<8x1024xf32, #tpu.memory_space<vmem>>) dst(%dma_wait3A_296 : memref<8x1024xf32, #tpu.memory_space<hbm>>)
        %mul3A_297 = arith.constant 8 : i32
        %mul3A_298 = arith.muli %add3A_275, %mul3A_297 : i32
        %dma_start3A_299 = tpu.memref_slice %arg5[%mul3A_298] : memref<512xi32, #tpu.memory_space<vmem>> -> memref<8xi32, #tpu.memory_space<vmem>>
        %dma_start3A_300 = arith.constant 0 : i32
        %dma_start3A_301 = arith.constant 0 : i32
        %dma_start3A_302 = tpu.memref_slice %arg3[%dma_start3A_300, %dma_start3A_301] : memref<100000x1024xf32, #tpu.memory_space<hbm>> -> memref<100000x1024xf32, #tpu.memory_space<hbm>>
        tpu.enqueue_indirect_dma source(%dma_start3A_302 : memref<100000x1024xf32, #tpu.memory_space<hbm>>) target(%arg13 : memref<8x1024xf32, #tpu.memory_space<vmem>>) offsets(%dma_start3A_299 : memref<8xi32, #tpu.memory_space<vmem>>) semaphore(%arg21 : memref<!tpu.dma_semaphore, #tpu.memory_space<semaphore_mem>>)
      } else {
      }
    }
    %scan3A_78 = arith.constant 8 : i32
    %dma_wait3A = arith.constant 0 : i32
    %dma_wait3A_79 = tpu.memref_slice %arg4[%mul3A_34, %dma_wait3A] : memref<16384x1024xf32, #tpu.memory_space<hbm>> -> memref<8x1024xf32, #tpu.memory_space<hbm>>
    %dma_wait3A_80 = arith.constant 0 : i32
    %dma_wait3A_81 = tpu.memref_slice %arg4[%mul3A_34, %dma_wait3A_80] : memref<16384x1024xf32, #tpu.memory_space<hbm>> -> memref<8x1024xf32, #tpu.memory_space<hbm>>
    tpu.wait_dma2 semaphore(%arg22 : memref<!tpu.dma_semaphore, #tpu.memory_space<semaphore_mem>>) src(%arg6 : memref<8x1024xf32, #tpu.memory_space<vmem>>) dst(%dma_wait3A_81 : memref<8x1024xf32, #tpu.memory_space<hbm>>)
    %dma_wait3A_82 = arith.constant 0 : i32
    %dma_wait3A_83 = tpu.memref_slice %arg4[%mul3A_34, %dma_wait3A_82] : memref<16384x1024xf32, #tpu.memory_space<hbm>> -> memref<8x1024xf32, #tpu.memory_space<hbm>>
    %dma_wait3A_84 = arith.constant 0 : i32
    %dma_wait3A_85 = tpu.memref_slice %arg4[%mul3A_34, %dma_wait3A_84] : memref<16384x1024xf32, #tpu.memory_space<hbm>> -> memref<8x1024xf32, #tpu.memory_space<hbm>>
    tpu.wait_dma2 semaphore(%arg23 : memref<!tpu.dma_semaphore, #tpu.memory_space<semaphore_mem>>) src(%arg7 : memref<8x1024xf32, #tpu.memory_space<vmem>>) dst(%dma_wait3A_85 : memref<8x1024xf32, #tpu.memory_space<hbm>>)
    %dma_wait3A_86 = arith.constant 0 : i32
    %dma_wait3A_87 = tpu.memref_slice %arg4[%mul3A_34, %dma_wait3A_86] : memref<16384x1024xf32, #tpu.memory_space<hbm>> -> memref<8x1024xf32, #tpu.memory_space<hbm>>
    %dma_wait3A_88 = arith.constant 0 : i32
    %dma_wait3A_89 = tpu.memref_slice %arg4[%mul3A_34, %dma_wait3A_88] : memref<16384x1024xf32, #tpu.memory_space<hbm>> -> memref<8x1024xf32, #tpu.memory_space<hbm>>
    tpu.wait_dma2 semaphore(%arg24 : memref<!tpu.dma_semaphore, #tpu.memory_space<semaphore_mem>>) src(%arg8 : memref<8x1024xf32, #tpu.memory_space<vmem>>) dst(%dma_wait3A_89 : memref<8x1024xf32, #tpu.memory_space<hbm>>)
    %dma_wait3A_90 = arith.constant 0 : i32
    %dma_wait3A_91 = tpu.memref_slice %arg4[%mul3A_34, %dma_wait3A_90] : memref<16384x1024xf32, #tpu.memory_space<hbm>> -> memref<8x1024xf32, #tpu.memory_space<hbm>>
    %dma_wait3A_92 = arith.constant 0 : i32
    %dma_wait3A_93 = tpu.memref_slice %arg4[%mul3A_34, %dma_wait3A_92] : memref<16384x1024xf32, #tpu.memory_space<hbm>> -> memref<8x1024xf32, #tpu.memory_space<hbm>>
    tpu.wait_dma2 semaphore(%arg25 : memref<!tpu.dma_semaphore, #tpu.memory_space<semaphore_mem>>) src(%arg9 : memref<8x1024xf32, #tpu.memory_space<vmem>>) dst(%dma_wait3A_93 : memref<8x1024xf32, #tpu.memory_space<hbm>>)
    %dma_wait3A_94 = arith.constant 0 : i32
    %dma_wait3A_95 = tpu.memref_slice %arg4[%mul3A_34, %dma_wait3A_94] : memref<16384x1024xf32, #tpu.memory_space<hbm>> -> memref<8x1024xf32, #tpu.memory_space<hbm>>
    %dma_wait3A_96 = arith.constant 0 : i32
    %dma_wait3A_97 = tpu.memref_slice %arg4[%mul3A_34, %dma_wait3A_96] : memref<16384x1024xf32, #tpu.memory_space<hbm>> -> memref<8x1024xf32, #tpu.memory_space<hbm>>
    tpu.wait_dma2 semaphore(%arg26 : memref<!tpu.dma_semaphore, #tpu.memory_space<semaphore_mem>>) src(%arg10 : memref<8x1024xf32, #tpu.memory_space<vmem>>) dst(%dma_wait3A_97 : memref<8x1024xf32, #tpu.memory_space<hbm>>)
    %dma_wait3A_98 = arith.constant 0 : i32
    %dma_wait3A_99 = tpu.memref_slice %arg4[%mul3A_34, %dma_wait3A_98] : memref<16384x1024xf32, #tpu.memory_space<hbm>> -> memref<8x1024xf32, #tpu.memory_space<hbm>>
    %dma_wait3A_100 = arith.constant 0 : i32
    %dma_wait3A_101 = tpu.memref_slice %arg4[%mul3A_34, %dma_wait3A_100] : memref<16384x1024xf32, #tpu.memory_space<hbm>> -> memref<8x1024xf32, #tpu.memory_space<hbm>>
    tpu.wait_dma2 semaphore(%arg27 : memref<!tpu.dma_semaphore, #tpu.memory_space<semaphore_mem>>) src(%arg11 : memref<8x1024xf32, #tpu.memory_space<vmem>>) dst(%dma_wait3A_101 : memref<8x1024xf32, #tpu.memory_space<hbm>>)
    %dma_wait3A_102 = arith.constant 0 : i32
    %dma_wait3A_103 = tpu.memref_slice %arg4[%mul3A_34, %dma_wait3A_102] : memref<16384x1024xf32, #tpu.memory_space<hbm>> -> memref<8x1024xf32, #tpu.memory_space<hbm>>
    %dma_wait3A_104 = arith.constant 0 : i32
    %dma_wait3A_105 = tpu.memref_slice %arg4[%mul3A_34, %dma_wait3A_104] : memref<16384x1024xf32, #tpu.memory_space<hbm>> -> memref<8x1024xf32, #tpu.memory_space<hbm>>
    tpu.wait_dma2 semaphore(%arg28 : memref<!tpu.dma_semaphore, #tpu.memory_space<semaphore_mem>>) src(%arg12 : memref<8x1024xf32, #tpu.memory_space<vmem>>) dst(%dma_wait3A_105 : memref<8x1024xf32, #tpu.memory_space<hbm>>)
    %dma_wait3A_106 = arith.constant 0 : i32
    %dma_wait3A_107 = tpu.memref_slice %arg4[%mul3A_34, %dma_wait3A_106] : memref<16384x1024xf32, #tpu.memory_space<hbm>> -> memref<8x1024xf32, #tpu.memory_space<hbm>>
    %dma_wait3A_108 = arith.constant 0 : i32
    %dma_wait3A_109 = tpu.memref_slice %arg4[%mul3A_34, %dma_wait3A_108] : memref<16384x1024xf32, #tpu.memory_space<hbm>> -> memref<8x1024xf32, #tpu.memory_space<hbm>>
    tpu.wait_dma2 semaphore(%arg29 : memref<!tpu.dma_semaphore, #tpu.memory_space<semaphore_mem>>) src(%arg13 : memref<8x1024xf32, #tpu.memory_space<vmem>>) dst(%dma_wait3A_109 : memref<8x1024xf32, #tpu.memory_space<hbm>>)
    return
  }
}

</mosaic_0001>

<sc_bundles>
// kernel: kernel.3.cloned.1.call-start
scs
__scs_entry_jumppad:
0x0: {  	(pc) =	sbr.rel $0x88, $3  }
0x1: {  	(tag) =	ssettag $0x0;
	lr =	simm.s32 $0x1  }
0x2: {  	[smem:$0x3F9F] =	sst lr;
	_ =	strace $0xD0000000  }
0x3: {  	_ = 	snop  }
0x4: {  	_ = 	snop  }
0x5: {  	_ = 	snop  }
0x6: {  	_ = 	snop  }
0x7: {  	_ = 	snop  }
__scs_overlays_trampoline_lowered:
0x8: {  	[smem:$0x3FAE] =	sst s0  }
0x9: {  	[smem:$0x3FAF] =	sst s1  }
0xa: {  	[smem:$0x3FB0] =	sst s2  }
0xb: {  	[smem:$0x3FB1] =	sst s3  }
0xc: {  	[smem:$0x3FB2] =	sst s4  }
0xd: {  	[smem:$0x3FB3] =	sst s5  }
0xe: {  	[smem:$0x3FB4] =	sst s6  }
0xf: {  	[smem:$0x3FB5] =	sst s7  }
0x10: {  	[smem:$0x3FB6] =	sst s8  }
0x11: {  	[smem:$0x3FB7] =	sst s9;
	s0 =	simm.s32 @!p0 $0x0  }
0x12: {  	s1 =	sld [smem:$0x3F9D];
	s0 =	simm.s32 @p0 $0x1  }
0x13: {  	[smem:$0x3FB8] =	sst s0;
	s0 =	simm.s32 @!p1 $0x0  }
0x14: {  	s2 =	sld [smem:$0x3F9C];
	s0 =	simm.s32 @p1 $0x1  }
0x15: {  	[smem:$0x3FB9] =	sst s0;
	s0 =	simm.s32 @!p2 $0x0  }
0x16: {  	s3 =	sld [smem:$0x3FDB];
	s0 =	simm.s32 @p2 $0x1  }
0x17: {  	s4 =	simm.s32 $0x1BF5;
	[smem:$0x3FBB] =	sst s0  }
0x18: {  	s0 =	sld [smem:$0x3F9E];
	_ =	swait.ge [sflag:s4], $0x0  }
0x19: {  	s7 =	sld [smem:$0x3F9F]  }
0x1a: {  	s8 =	sadd.s32 $0xFFFFE003, lr  }
0x1b: {  	s9 =	sadd.s32 $0xFFFFFEF7, lr;
	s5 =	simm.s32 $0xFFFFFFFF;
	p2 =	slt.u32 s8, $0xFFFFF086  }
0x1c: {  	p1 =	slt.u32 s9, $0xF7A;
	s5 =	simm.s32 @!p2 $0x0  }
0x1d: {  	s5 =	simm.s32 @p1 $0x1;
	p0 =	seq.s32 s7, s2  }
0x1e: {  	s7 =	smul.u32 @!p0 $0xF7A, s2;
	p2 =	seq.s32 @!p0 s5, $0x0  }
0x1f: {  	s9 =	smul.u32 $0xF7A, s1;
	s8 =	simm.s32 @!p0 $0x1BF5;
	p2 =	por !p2, p0  }
0x20: {  	[sflag:s8] =	ssyncset.s32 @!p0 $0xFFFFF086;
	s6 =	sadd.s32 @!p0 s3, s7;
	s7 =	simm.s32 @!p0 $0x108  }
0x21: {  	s3 =	sadd.s32 s3, s9;
	s6 =	sadd.s32 @!p0 $0x88, s6;
	s7 =	simm.s32 @p2 $0x1082  }
0x22: {  	[simem:s7], [sflag:s8] =	dma.local @!p0 [hbm:s6], $0xF7A  }
0x23: {  	s9 =	sor.u32 $0xD0000000, s2;
	s6 =	simm.s32 $0x108;
	_ =	swait.ge @!p0 [sflag:s8], $0x0  }
0x24: {  	s3 =	sadd.s32 $0x88, s3;
	s6 =	simm.s32 @!p1 $0x1082;
	[sflag:s4] =	ssyncset.s32 $0xFFFFF086  }
0x25: {  	[simem:s6], [sflag:s4] =	dma.local [hbm:s3], $0xF7A  }
0x26: {  	[smem:$0x3F9F] =	sst s1;
	(tag) =	ssettag s2;
	_ =	strace s9  }
0x27: {  	s1 =	sld [smem:$0x3FAF]  }
0x28: {  	s2 =	sld [smem:$0x3FB0]  }
0x29: {  	s4 =	sld [smem:$0x3FB2]  }
0x2a: {  	p0 =	seq.s32 s5, $0x0;
	s5 =	sld [smem:$0x3FB3]  }
0x2b: {  	s6 =	sld [smem:$0x3FB4]  }
0x2c: {  	s7 =	sld [smem:$0x3FB5]  }
0x2d: {  	s3 =	simm.s32 $0x108;
	s8 =	sld [smem:$0x3FB6]  }
0x2e: {  	s3 =	simm.s32 @!p0 $0x1082;
	s9 =	sld [smem:$0x3FB7]  }
0x2f: {  	lr =	sadd.s32 s0, s3;
	s0 =	sld [smem:$0x3FAE]  }
0x30: {  	s3 =	sld [smem:$0x3FB1]  }
0x31: {  	[smem:$0x3FBA] =	sst s10  }
0x32: {  	s10 =	sld [smem:$0x3FB8];
	_ =	sdelay $0x3  }
0x33: {  	p0 =	seq.s32 s10, $0x1;
	s10 =	sld [smem:$0x3FBA];
	_ =	sdelay $0x3  }
0x34: {  	[smem:$0x3FBA] =	sst s10  }
0x35: {  	s10 =	sld [smem:$0x3FB9];
	_ =	sdelay $0x3  }
0x36: {  	p1 =	seq.s32 s10, $0x1;
	s10 =	sld [smem:$0x3FBA];
	_ =	sdelay $0x3  }
0x37: {  	[smem:$0x3FBA] =	sst s10  }
0x38: {  	s10 =	sld [smem:$0x3FBB]  }
0x39: {  	_ = 	snop;
	(pc) =	sbr.ind lr, $3  }
0x3a: {  	_ = 	snop  }
0x3b: {  	_ = 	snop  }
0x3c: {  	p2 =	seq.s32 s10, $0x1;
	s10 =	sld [smem:$0x3FBA]  }
0x3d: {  	_ =	shalt  }
0x3e: {  	_ =	shalt  }
0x3f: {  	_ =	shalt  }
0x40: {  	_ =	shalt  }
0x41: {  	_ =	shalt  }
0x42: {  	_ =	shalt  }
0x43: {  	_ =	shalt  }
0x44: {  	_ =	shalt  }
0x45: {  	_ =	shalt  }
0x46: {  	_ =	shalt  }
0x47: {  	_ =	shalt  }
0x48: {  	_ =	shalt  }
0x49: {  	_ =	shalt  }
0x4a: {  	_ =	shalt  }
0x4b: {  	_ =	shalt  }
0x4c: {  	_ =	shalt  }
0x4d: {  	_ =	shalt  }
0x4e: {  	_ =	shalt  }
0x4f: {  	_ =	shalt  }
0x50: {  	_ =	shalt  }
0x51: {  	_ =	shalt  }
0x52: {  	_ =	shalt  }
0x53: {  	_ =	shalt  }
0x54: {  	_ =	shalt  }
0x55: {  	_ =	shalt  }
0x56: {  	_ =	shalt  }
0x57: {  	_ =	shalt  }
0x58: {  	_ =	shalt  }
0x59: {  	_ =	shalt  }
0x5a: {  	_ =	shalt  }
0x5b: {  	_ =	shalt  }
0x5c: {  	_ =	shalt  }
0x5d: {  	_ =	shalt  }
0x5e: {  	_ =	shalt  }
0x5f: {  	_ =	shalt  }
0x60: {  	_ =	shalt  }
0x61: {  	_ =	shalt  }
0x62: {  	_ =	shalt  }
0x63: {  	_ =	shalt  }
0x64: {  	_ =	shalt  }
0x65: {  	_ =	shalt  }
0x66: {  	_ =	shalt  }
0x67: {  	_ =	shalt  }
0x68: {  	_ =	shalt  }
0x69: {  	_ =	shalt  }
0x6a: {  	_ =	shalt  }
0x6b: {  	_ =	shalt  }
0x6c: {  	_ =	shalt  }
0x6d: {  	_ =	shalt  }
0x6e: {  	_ =	shalt  }
0x6f: {  	_ =	shalt  }
0x70: {  	_ =	shalt  }
0x71: {  	_ =	shalt  }
0x72: {  	_ =	shalt  }
0x73: {  	_ =	shalt  }
0x74: {  	_ =	shalt  }
0x75: {  	_ =	shalt  }
0x76: {  	_ =	shalt  }
0x77: {  	_ =	shalt  }
0x78: {  	_ =	shalt  }
0x79: {  	_ =	shalt  }
0x7a: {  	_ =	shalt  }
0x7b: {  	_ =	shalt  }
0x7c: {  	_ =	shalt  }
0x7d: {  	_ =	shalt  }
0x7e: {  	_ =	shalt  }
0x7f: {  	_ =	shalt  }
0x80: {  	_ =	shalt  }
0x81: {  	_ =	shalt  }
0x82: {  	_ =	shalt  }
0x83: {  	_ =	shalt  }
0x84: {  	_ =	shalt  }
0x85: {  	_ =	shalt  }
0x86: {  	_ =	shalt  }
0x87: {  	_ =	shalt  }
.Lfunc_end0:
.L_simem_size_0:
called_computation_lowered:
.L_overlay_start_0:
0x88: {  	s2 =	sld [smem:$0x3FD9]  }
0x89: {  	s3 =	sld [smem:$0x3FFE];
	_ =	sdelay $0x1  }
0x8a: {  	s1 =	srdreg.scid  }
0x8b: {  	s0 =	sand.u32 $0x1, s1  }
0x8c: {  	s18 =	sshll.u32 s0, $0xA;
	s2 =	sadd.s32 s3, s2  }
0x8d: {  	s2 =	sadd.s32 s2, s18  }
0x8e: {  	[smem:$0x3FC6] =	sst s2  }
0x8f: {  	_ = 	snop  }
0x90: {  	s2 =	sld [smem:$0x3FC9]  }
0x91: {  	s19 =	sld [smem:$0x3FC8]  }
0x92: {  	s4 =	sld [smem:$0x3FD0];
	(tm) =	ssettm $0x1  }
0x93: {  	s5 =	sld [smem:$0x3FFB];
	_ =	sdelay $0x3  }
0x94: {  	_ =	strace s5  }
0x95: {  	s5 =	sld [smem:$0x3FFC];
	_ =	sdelay $0x3  }
0x96: {  	_ =	strace s5  }
0x97: {  	s5 =	sld [smem:$0x3FFD];
	_ =	sdelay $0x3  }
0x98: {  	_ =	strace s5  }
0x99: {  	_ =	strace $0x8FFFFFFF  }
0x9a: {  	s20 =	sld [smem:$0x3FDB];
	_ =	sdelay $0x1  }
0x9b: {  	s6 =	simm.s32 $_scs_section_size  }
0x9c: {  	s7 =	simm.s32 $_size__tile_overlayer_lowered;
	s8 =	simm.s32 $_tile_overlayer_lowered  }
0x9d: {  	s23 =	simm.s32 $0x1BFF;
	s22 =	sshll.u32 s8, $0x1;
	s5 =	sadd.s32 s6, s20  }
0x9e: {  	s9 =	simm.s32 $0x0;
	s21 =	sshll.u32 s7, $0x1;
	s7 =	sadd.s32 s22, s5  }
0x9f: {  	[timem:s9], [sflag:s23] =	dma.local [hbm:s7], s21  }
0xa0: {  	_ =	swait.ge [sflag:s23], s21  }
0xa1: {  	s6 =	ssub.s32 $0x0, s21;
	[sflag:s23] =	ssyncset.done $0x0  }
0xa2: {  	[sflag:s23] =	ssyncadd.s32 s6;
	_ =	sdelay $0x1  }
0xa3: {  	s24 =	simm.s32 $0x1B8B  }
0xa4: {  	_ =	swait.ge [sflag:s24], $0x1  }
0xa5: {  	[sflag:s24] =	ssyncset.done $0x0  }
0xa6: {  	s25 =	simm.s32 $0x1B8E;
	[sflag:s24] =	ssyncadd.s32 $0xFFFFFFFF  }
0xa7: {  	s26 =	simm.s32 $execute0_lowered;
	[smem:$0x3FD2] =	sst s25  }
0xa8: {  	s6 =	sshll.u32 s26, $0x1;
	_ =	strace $0x80000046;
	[dreg:$0x1] =	wrdreg $0xFFFFFFFF  }
0xa9: {  	s28 =	simm.s32 $_size_execute0_lowered;
	s5 =	sadd.s32 s5, s6;
	[dreg:$0x0] =	wrdreg $0x0  }
0xaa: {  	s6 =	sshll.u32 s28, $0x1;
	[dreg:$0x2] =	wrdreg s5  }
0xab: {  	[dreg:$0x3] =	wrdreg s6  }
0xac: {  	[dreg:$0x4] =	wrdreg $0xC0  }
0xad: {  	_ =	task [dreg:s9], $0x5FFFF  }
0xae: {  	[dreg:$0x1] =	wrdreg $0xFFFFFFFF  }
0xaf: {  	[dreg:$0x0] =	wrdreg $0x60  }
0xb0: {  	[dreg:$0x2] =	wrdreg s2  }
0xb1: {  	[dreg:$0x3] =	wrdreg s19  }
0xb2: {  	[dreg:$0x4] =	wrdreg s4  }
0xb3: {  	[dreg:$0x5] =	wrdreg $0x9  }
0xb4: {  	_ =	task.clear_ibuf [dreg:s9], $0x6FFFF;
	_ =	strace $0x90000046  }
0xb5: {  	s29 =	simm.s32 $0x9;
	_ =	strace $0x80000048  }
0xb6: {  	_ =	swait.ge [sflag:s29], $0x1  }
0xb7: {  	[sflag:s29] =	ssyncadd.s32 $0xFFFFFFFF  }
0xb8: {  	_ =	strace $0x90000048  }
0xb9: {  	_ =	sfence  }
0xba: {  	s30 =	sld [smem:$0x0];
	_ =	sdelay $0x2  }
0xbb: {  	s31 =	sshll.u32 s1, $0xD;
	s1 =	sshrl.u32 s1, $0x2  }
0xbc: {  	s3 =	sand.u32 $0x4000, s31;
	s1 =	sadd.s32 s1, s30  }
0xbd: {  	s0 =	sor.u32 s3, s0;
	s1 =	sshll.u32 s1, $0x11  }
0xbe: {  	s0 =	sor.u32 s1, s0  }
0xbf: {  	s0 =	sadd.s32 $0x8F2B, s0  }
0xc0: {  	[sflag:s0] =	ssyncadd.remote.s32 $0x1  }
0xc1: {  	_ =	sfence.sel $0xFFFF  }
0xc2: {  	[dreg:$0x0] =	wrdreg $0xFFFFFFFF;
	(pc) =	sbr.abs _section_cstart, $3  }
0xc3: {  	[dreg:$0x1] =	wrdreg $0xFFFFFFFF  }
0xc4: {  	_ =	task.clear_ibuf [dreg:s9], $0x2FFFF;
	_ =	strace $0x9FFFFFFF  }
0xc5: {  	(tm) =	ssettm $0x7FFFFFFF  }
tec
execute0_lowered:
.L_overlay_start_1:
0x0: {  	(tag) =	ssettag $0x1  }
0x1: {  	s0 =	rddreg [dreg:$0x0]  }
0x2: {  	s1 =	rddreg [dreg:$0x1]  }
0x3: {  	s3 =	rddreg [dreg:$0x2];
	s2 =	simm.s32 $0x0  }
0x4: {  	s4 =	srdreg.scid;
	s10 =	stileid.u32;
	s11 =	simm.s32 $0x200  }
0x5: {  	s16 =	simm.s32 $0x2200;
	s20 =	simm.s32 $0x4200;
	s29 =	simm.s32 $0x8200  }
0x6: {  	s15 =	simm.s32 $0xC200;
	s28 =	simm.s32 $0x2;
	s30 =	simm.s32 $0x3  }
0x7: {  	s31 =	simm.s32 $0x4;
	s13 =	simm.s32 $0x7;
	s14 =	simm.s32 $0x8  }
0x8: {  	s18 =	simm.s32 $0x10;
	[smem:$0x7FF] =	sst s2;
	s4 =	sand.u32 $0x1, s4  }
0x9: {  	s6 =	sshll.u32 s10, $0x9;
	s8 =	sshll.u32 s10, $0x2;
	s24 =	sshll.u32 s10, $0x11  }
0xa: {  	s10 =	simm.s32 $0x6;
	_ =	strace $0x80000047;
	s5 =	ssub.s32 $0x2, s4  }
0xb: {  	s7 =	sshll.u32 s4, $0x8;
	s21 =	sand.u32 $0x30, s8;
	s25 =	sshll.u32 s4, $0x10  }
0xc: {  	s8 =	simm.s32 $0x0;
	s9 =	sshrl.u32 s5, $0x1;
	s6 =	sor.u32 s7, s6  }
0xd: {  	s0 =	sadd.s32 s0, s21;
	s7 =	sadd.s32 $0x300, s1;
	s21 =	simm.s32 $0xE200  }
0xe: {  	s22 =	ssub.s32 s5, s9;
	s23 =	sand.u32 $0x700, s6;
	s5 =	sadd.s32 $0x100, s1  }
.Ltmp0:
0xf: {  	s6 =	sadd.s32 $0x200, s1;
	s0 =	sadd.s32 s23, s0;
	(pc) =	sbr.rel .LBB2_1-.Ltmp0, $4  }
0x10: {  	s26 =	smax.u32 s22, $0x1;
	s22 =	simm.s32 $0xEA00;
	[dreg:$0x4] =	wrdreg s0  }
0x11: {  	v0 =	vlaneseq.u32;
	s23 =	simm.s32 $0xF200;
	s0 =	sadd.s32 s24, s3;
	[dreg:$0x5] =	wrdreg s26  }
0x12: {  	v1 =	vshrl.u32 v0, $0x3;
	s24 =	simm.s32 $0x6200;
	s3 =	simm.s32 $0xA200;
	s26 =	simm.s32 $0x1  }
0x13: {  	vm0 =	vmmov $0xffff;
	v0 =	vand.u32 $0x7, v0;
	v1 =	vmul.u32 $0x8, v1;
	s9 =	sadd.s32 s25, s0;
	s25 =	simm.s32 $0xFA00;
	s0 =	simm.s32 $0x5  }
.LBB2_4:
0x14: {  	s4 =	simm.s32 $0x9  }
0x15: {  	_ =	swait.ge [sflag:s4], $0x2000  }
0x16: {  	[sflag:s4] =	ssyncset.done $0x0  }
0x17: {  	s12 =	simm.s32 $0xA;
	[sflag:s4] =	ssyncadd.s32 $0xFFFFE000  }
0x18: {  	_ =	swait.ge [sflag:s12], $0x2000  }
0x19: {  	[sflag:s12] =	ssyncset.done $0x0  }
0x1a: {  	s17 =	simm.s32 $0xB;
	[sflag:s12] =	ssyncadd.s32 $0xFFFFE000  }
0x1b: {  	_ =	swait.ge [sflag:s17], $0x2000  }
0x1c: {  	[sflag:s17] =	ssyncset.done $0x0  }
0x1d: {  	s19 =	simm.s32 $0xC;
	[sflag:s17] =	ssyncadd.s32 $0xFFFFE000  }
0x1e: {  	_ =	swait.ge [sflag:s19], $0x2000  }
0x1f: {  	[sflag:s19] =	ssyncset.done $0x0  }
0x20: {  	s8 =	simm.s32 $0xD;
	[sflag:s19] =	ssyncadd.s32 $0xFFFFE000  }
0x21: {  	_ =	swait.ge [sflag:s8], $0x2000  }
0x22: {  	[sflag:s8] =	ssyncset.done $0x0  }
0x23: {  	s12 =	simm.s32 $0xE;
	[sflag:s8] =	ssyncadd.s32 $0xFFFFE000  }
0x24: {  	_ =	swait.ge [sflag:s12], $0x2000  }
0x25: {  	[sflag:s12] =	ssyncset.done $0x0  }
0x26: {  	s17 =	simm.s32 $0xF;
	[sflag:s12] =	ssyncadd.s32 $0xFFFFE000  }
0x27: {  	_ =	swait.ge [sflag:s17], $0x2000  }
0x28: {  	[sflag:s17] =	ssyncset.done $0x0  }
0x29: {  	[sflag:s17] =	ssyncadd.s32 $0xFFFFE000  }
0x2a: {  	_ =	swait.ge [sflag:s18], $0x2000  }
0x2b: {  	s8 =	rddreg [dreg:$0x6]  }
0x2c: {  	s19 =	rddreg [dreg:$0x5];
	s8 =	sadd.s32 $0x1, s8  }
0x2d: {  	p0 =	sne.s32 s8, s19  }
.Ltmp1:
0x2e: {  	_ = 	snop;
	(pc) =	sbr.rel @!p0 .LBB2_5-.Ltmp1, $3  }
0x2f: {  	_ =	sdelay $0x1  }
0x30: {  	[sflag:s18] =	ssyncset.done $0x0  }
0x31: {  	[sflag:s18] =	ssyncadd.s32 $0xFFFFE000  }
.LBB2_1:
0x32: {  	[dreg:$0x6] =	wrdreg s8  }
0x33: {  	s4 =	rddreg [dreg:$0x4];
	s12 =	simm.s32 $0x80;
	s17 =	simm.s32 $0x11  }
0x34: {  	[tilespmem:s2], [sflag:$0x11] =	stream.strided.gather [hbm4b:s4+s12], $0x200, s11, s12, $0x38;
	[tilespmem:$0x10200] =	vst v63  }
0x35: {  	_ =	swait.ge [sflag:s17], $0x200  }
0x36: {  	[sflag:s17] =	ssyncset.done $0x0  }
0x37: {  	[sflag:s17] =	ssyncadd.s32 $0xFFFFFE00  }
0x38: {  	v2 =	vld.msk [tilespmem:$0x0], $0xff;
	_ =	sdelay $0x4  }
0x39: {  	v3 =	vshll.u32 v2, $0x3  }
0x3a: {  	v2 =	vand.u32 $0x7, v2;
	v3 =	vand.u32 $0xFFFFFFC0, v3  }
0x3b: {  	v2 =	vor.u32 v2, v3  }
0x3c: {  	v2 =	vperm.xlane v2, v0;
	_ =	sdelay $0x1  }
0x3d: {  	v2 =	vadd.s32 v1, v2;
	_ =	sdelay $0x4  }
0x3e: {  	[tilespmem:s11], [sflag:$0x1] =	stream.indirect_vreg.gather [hbm4b:s1+s2], $0x80, v2, vm0, $0xb8;
	[tilespmem:$0x10200] =	vst v63  }
0x3f: {  	s19 =	simm.s32 $0xA00  }
0x40: {  	[tilespmem:s19], [sflag:$0x1] =	stream.indirect_vreg.gather [hbm4b:s5+s2], $0x80, v2, vm0, $0xb8;
	[tilespmem:$0x10200] =	vst v63  }
0x41: {  	s8 =	simm.s32 $0x1200  }
0x42: {  	[tilespmem:s8], [sflag:$0x1] =	stream.indirect_vreg.gather [hbm4b:s6+s2], $0x80, v2, vm0, $0xb8;
	[tilespmem:$0x10200] =	vst v63  }
0x43: {  	s12 =	simm.s32 $0x1A00  }
0x44: {  	[tilespmem:s12], [sflag:$0x1] =	stream.indirect_vreg.gather [hbm4b:s7+s2], $0x80, v2, vm0, $0xb8;
	[tilespmem:$0x10200] =	vst v63  }
0x45: {  	v2 =	vld.msk [tilespmem:$0x8], $0xff;
	_ =	sdelay $0x4  }
0x46: {  	v3 =	vshll.u32 v2, $0x3  }
0x47: {  	v2 =	vand.u32 $0x7, v2;
	v3 =	vand.u32 $0xFFFFFFC0, v3  }
0x48: {  	v2 =	vor.u32 v2, v3  }
0x49: {  	v2 =	vperm.xlane v2, v0;
	_ =	sdelay $0x1  }
0x4a: {  	v2 =	vadd.s32 v1, v2;
	_ =	sdelay $0x4  }
0x4b: {  	[tilespmem:s16], [sflag:$0x2] =	stream.indirect_vreg.gather [hbm4b:s1+s2], $0x80, v2, vm0, $0xb8;
	[tilespmem:$0x10200] =	vst v63  }
0x4c: {  	s17 =	simm.s32 $0x2A00  }
0x4d: {  	[tilespmem:s17], [sflag:$0x2] =	stream.indirect_vreg.gather [hbm4b:s5+s2], $0x80, v2, vm0, $0xb8;
	[tilespmem:$0x10200] =	vst v63  }
0x4e: {  	s19 =	simm.s32 $0x3200  }
0x4f: {  	[tilespmem:s19], [sflag:$0x2] =	stream.indirect_vreg.gather [hbm4b:s6+s2], $0x80, v2, vm0, $0xb8;
	[tilespmem:$0x10200] =	vst v63  }
0x50: {  	s8 =	simm.s32 $0x3A00  }
0x51: {  	[tilespmem:s8], [sflag:$0x2] =	stream.indirect_vreg.gather [hbm4b:s7+s2], $0x80, v2, vm0, $0xb8;
	[tilespmem:$0x10200] =	vst v63  }
0x52: {  	v2 =	vld.msk [tilespmem:$0x10], $0xff;
	_ =	sdelay $0x4  }
0x53: {  	v3 =	vshll.u32 v2, $0x3  }
0x54: {  	v2 =	vand.u32 $0x7, v2;
	v3 =	vand.u32 $0xFFFFFFC0, v3  }
0x55: {  	v2 =	vor.u32 v2, v3  }
0x56: {  	v2 =	vperm.xlane v2, v0;
	_ =	sdelay $0x1  }
0x57: {  	v2 =	vadd.s32 v1, v2;
	_ =	sdelay $0x4  }
0x58: {  	[tilespmem:s20], [sflag:$0x3] =	stream.indirect_vreg.gather [hbm4b:s1+s2], $0x80, v2, vm0, $0xb8;
	[tilespmem:$0x10200] =	vst v63  }
0x59: {  	s12 =	simm.s32 $0x4A00  }
0x5a: {  	[tilespmem:s12], [sflag:$0x3] =	stream.indirect_vreg.gather [hbm4b:s5+s2], $0x80, v2, vm0, $0xb8;
	[tilespmem:$0x10200] =	vst v63  }
0x5b: {  	s17 =	simm.s32 $0x5200  }
0x5c: {  	[tilespmem:s17], [sflag:$0x3] =	stream.indirect_vreg.gather [hbm4b:s6+s2], $0x80, v2, vm0, $0xb8;
	[tilespmem:$0x10200] =	vst v63  }
0x5d: {  	s19 =	simm.s32 $0x5A00  }
0x5e: {  	[tilespmem:s19], [sflag:$0x3] =	stream.indirect_vreg.gather [hbm4b:s7+s2], $0x80, v2, vm0, $0xb8;
	[tilespmem:$0x10200] =	vst v63  }
0x5f: {  	v2 =	vld.msk [tilespmem:$0x18], $0xff;
	_ =	sdelay $0x4  }
0x60: {  	v3 =	vshll.u32 v2, $0x3  }
0x61: {  	v2 =	vand.u32 $0x7, v2;
	v3 =	vand.u32 $0xFFFFFFC0, v3  }
0x62: {  	v2 =	vor.u32 v2, v3  }
0x63: {  	v2 =	vperm.xlane v2, v0;
	_ =	sdelay $0x1  }
0x64: {  	v2 =	vadd.s32 v1, v2;
	_ =	sdelay $0x4  }
0x65: {  	[tilespmem:s24], [sflag:$0x4] =	stream.indirect_vreg.gather [hbm4b:s1+s2], $0x80, v2, vm0, $0xb8;
	[tilespmem:$0x10200] =	vst v63  }
0x66: {  	s8 =	simm.s32 $0x6A00  }
0x67: {  	[tilespmem:s8], [sflag:$0x4] =	stream.indirect_vreg.gather [hbm4b:s5+s2], $0x80, v2, vm0, $0xb8;
	[tilespmem:$0x10200] =	vst v63  }
0x68: {  	s12 =	simm.s32 $0x7200  }
0x69: {  	[tilespmem:s12], [sflag:$0x4] =	stream.indirect_vreg.gather [hbm4b:s6+s2], $0x80, v2, vm0, $0xb8;
	[tilespmem:$0x10200] =	vst v63  }
0x6a: {  	s17 =	simm.s32 $0x7A00  }
0x6b: {  	[tilespmem:s17], [sflag:$0x4] =	stream.indirect_vreg.gather [hbm4b:s7+s2], $0x80, v2, vm0, $0xb8;
	[tilespmem:$0x10200] =	vst v63  }
0x6c: {  	v2 =	vld.msk [tilespmem:$0x20], $0xff;
	_ =	sdelay $0x4  }
0x6d: {  	v3 =	vshll.u32 v2, $0x3  }
0x6e: {  	v2 =	vand.u32 $0x7, v2;
	v3 =	vand.u32 $0xFFFFFFC0, v3  }
0x6f: {  	v2 =	vor.u32 v2, v3  }
0x70: {  	v2 =	vperm.xlane v2, v0;
	_ =	sdelay $0x1  }
0x71: {  	v2 =	vadd.s32 v1, v2;
	_ =	sdelay $0x4  }
0x72: {  	[tilespmem:s29], [sflag:$0x5] =	stream.indirect_vreg.gather [hbm4b:s1+s2], $0x80, v2, vm0, $0xb8;
	[tilespmem:$0x10200] =	vst v63  }
0x73: {  	s19 =	simm.s32 $0x8A00  }
0x74: {  	[tilespmem:s19], [sflag:$0x5] =	stream.indirect_vreg.gather [hbm4b:s5+s2], $0x80, v2, vm0, $0xb8;
	[tilespmem:$0x10200] =	vst v63  }
0x75: {  	s8 =	simm.s32 $0x9200  }
0x76: {  	[tilespmem:s8], [sflag:$0x5] =	stream.indirect_vreg.gather [hbm4b:s6+s2], $0x80, v2, vm0, $0xb8;
	[tilespmem:$0x10200] =	vst v63  }
0x77: {  	s12 =	simm.s32 $0x9A00  }
0x78: {  	[tilespmem:s12], [sflag:$0x5] =	stream.indirect_vreg.gather [hbm4b:s7+s2], $0x80, v2, vm0, $0xb8;
	[tilespmem:$0x10200] =	vst v63  }
0x79: {  	v2 =	vld.msk [tilespmem:$0x28], $0xff;
	_ =	sdelay $0x4  }
0x7a: {  	v3 =	vshll.u32 v2, $0x3  }
0x7b: {  	v2 =	vand.u32 $0x7, v2;
	v3 =	vand.u32 $0xFFFFFFC0, v3  }
0x7c: {  	v2 =	vor.u32 v2, v3  }
0x7d: {  	v2 =	vperm.xlane v2, v0;
	_ =	sdelay $0x1  }
0x7e: {  	v2 =	vadd.s32 v1, v2;
	_ =	sdelay $0x4  }
0x7f: {  	[tilespmem:s3], [sflag:$0x6] =	stream.indirect_vreg.gather [hbm4b:s1+s2], $0x80, v2, vm0, $0xb8;
	[tilespmem:$0x10200] =	vst v63  }
0x80: {  	s17 =	simm.s32 $0xAA00  }
0x81: {  	[tilespmem:s17], [sflag:$0x6] =	stream.indirect_vreg.gather [hbm4b:s5+s2], $0x80, v2, vm0, $0xb8;
	[tilespmem:$0x10200] =	vst v63  }
0x82: {  	s19 =	simm.s32 $0xB200  }
0x83: {  	[tilespmem:s19], [sflag:$0x6] =	stream.indirect_vreg.gather [hbm4b:s6+s2], $0x80, v2, vm0, $0xb8;
	[tilespmem:$0x10200] =	vst v63  }
0x84: {  	s8 =	simm.s32 $0xBA00  }
0x85: {  	[tilespmem:s8], [sflag:$0x6] =	stream.indirect_vreg.gather [hbm4b:s7+s2], $0x80, v2, vm0, $0xb8;
	[tilespmem:$0x10200] =	vst v63  }
0x86: {  	v2 =	vld.msk [tilespmem:$0x30], $0xff;
	_ =	sdelay $0x4  }
0x87: {  	v3 =	vshll.u32 v2, $0x3  }
0x88: {  	v2 =	vand.u32 $0x7, v2;
	v3 =	vand.u32 $0xFFFFFFC0, v3  }
0x89: {  	v2 =	vor.u32 v2, v3  }
0x8a: {  	v2 =	vperm.xlane v2, v0;
	_ =	sdelay $0x1  }
0x8b: {  	v2 =	vadd.s32 v1, v2;
	_ =	sdelay $0x4  }
0x8c: {  	[tilespmem:s15], [sflag:$0x7] =	stream.indirect_vreg.gather [hbm4b:s1+s2], $0x80, v2, vm0, $0xb8;
	[tilespmem:$0x10200] =	vst v63  }
0x8d: {  	s12 =	simm.s32 $0xCA00  }
0x8e: {  	[tilespmem:s12], [sflag:$0x7] =	stream.indirect_vreg.gather [hbm4b:s5+s2], $0x80, v2, vm0, $0xb8;
	[tilespmem:$0x10200] =	vst v63  }
0x8f: {  	s17 =	simm.s32 $0xD200  }
0x90: {  	[tilespmem:s17], [sflag:$0x7] =	stream.indirect_vreg.gather [hbm4b:s6+s2], $0x80, v2, vm0, $0xb8;
	[tilespmem:$0x10200] =	vst v63  }
0x91: {  	s19 =	simm.s32 $0xDA00  }
0x92: {  	[tilespmem:s19], [sflag:$0x7] =	stream.indirect_vreg.gather [hbm4b:s7+s2], $0x80, v2, vm0, $0xb8;
	[tilespmem:$0x10200] =	vst v63  }
0x93: {  	v2 =	vld.msk [tilespmem:$0x38], $0xff;
	_ =	sdelay $0x4  }
0x94: {  	v3 =	vshll.u32 v2, $0x3  }
0x95: {  	v2 =	vand.u32 $0x7, v2;
	v3 =	vand.u32 $0xFFFFFFC0, v3  }
0x96: {  	v2 =	vor.u32 v2, v3  }
0x97: {  	v2 =	vperm.xlane v2, v0;
	_ =	sdelay $0x1  }
0x98: {  	v2 =	vadd.s32 v1, v2;
	_ =	sdelay $0x4  }
0x99: {  	[tilespmem:s21], [sflag:$0x8] =	stream.indirect_vreg.gather [hbm4b:s1+s2], $0x80, v2, vm0, $0xb8;
	[tilespmem:$0x10200] =	vst v63  }
0x9a: {  	_ = 	snop  }
0x9b: {  	[tilespmem:s22], [sflag:$0x8] =	stream.indirect_vreg.gather [hbm4b:s5+s2], $0x80, v2, vm0, $0xb8;
	[tilespmem:$0x10200] =	vst v63  }
0x9c: {  	_ = 	snop  }
0x9d: {  	[tilespmem:s23], [sflag:$0x8] =	stream.indirect_vreg.gather [hbm4b:s6+s2], $0x80, v2, vm0, $0xb8;
	[tilespmem:$0x10200] =	vst v63  }
0x9e: {  	s4 =	simm.s32 $0x78;
	s8 =	simm.s32 $0x0  }
0x9f: {  	[tilespmem:s25], [sflag:$0x8] =	stream.indirect_vreg.gather [hbm4b:s7+s2], $0x80, v2, vm0, $0xb8;
	[tilespmem:$0x10200] =	vst v63  }
.LBB2_2:
0xa0: {  	_ =	swait.ge [sflag:s26], $0x2000  }
0xa1: {  	p0 =	seq.s32 s8, $0xE000;
	[sflag:s26] =	ssyncset.done $0x0  }
0xa2: {  	s12 =	sadd.s32 s8, s9;
	s17 =	simm.s32 @!p0 $0x9;
	[sflag:s26] =	ssyncadd.s32 $0xFFFFE000  }
0xa3: {  	[hbm4b:s12+s2] =	stream.linear.scatter [tilespmem:s11], [sflag:$0x9], $0x2000, $0x38;
	[tilespmem:$0x10200] =	vst v63  }
0xa4: {  	_ =	swait.ge @!p0 [sflag:s17], $0x2000  }
0xa5: {  	[sflag:s17] =	ssyncset.done @!p0 $0x0  }
0xa6: {  	[sflag:s17] =	ssyncadd.s32 @!p0 $0xFFFFE000  }
0xa7: {  	v2 =	vld.msk @!p0 [tilespmem:s4+$0xFFFFFFC8], $0xff;
	_ =	sdelay $0x4  }
0xa8: {  	v3 =	vshll.u32 @!p0 v2, $0x3  }
0xa9: {  	v4 =	vlaneseq.u32 @!p0;
	v2 =	vand.u32 @!p0 $0x7, v2;
	v3 =	vand.u32 @!p0 $0xFFFFFFC0, v3  }
0xaa: {  	v3 =	vor.u32 @!p0 v2, v3;
	v2 =	vand.u32 @!p0 $0x7, v4;
	v4 =	vshrl.u32 @!p0 v4, $0x3  }
0xab: {  	v5 =	vperm.xlane @!p0 v3, v2;
	v3 =	vmul.u32 @!p0 $0x8, v4;
	_ =	sdelay $0x1  }
0xac: {  	v4 =	vadd.s32 @!p0 v3, v5;
	_ =	sdelay $0x3  }
0xad: {  	vm1 =	vmmov @!p0 $0xffff;
	s19 =	simm.s32 @!p0 $0x200;
	s17 =	simm.s32 @!p0 $0x0  }
0xae: {  	[tilespmem:s19], [sflag:$0x1] =	stream.indirect_vreg.gather @!p0 [hbm4b:s1+s17], $0x80, v4, vm1, $0xb8;
	[tilespmem:$0x10200] =	vst v63  }
0xaf: {  	s19 =	simm.s32 @!p0 $0xA00  }
0xb0: {  	[tilespmem:s19], [sflag:$0x1] =	stream.indirect_vreg.gather @!p0 [hbm4b:s5+s17], $0x80, v4, vm1, $0xb8;
	[tilespmem:$0x10200] =	vst v63  }
0xb1: {  	s19 =	simm.s32 @!p0 $0x1200  }
0xb2: {  	[tilespmem:s19], [sflag:$0x1] =	stream.indirect_vreg.gather @!p0 [hbm4b:s6+s17], $0x80, v4, vm1, $0xb8;
	[tilespmem:$0x10200] =	vst v63  }
0xb3: {  	s19 =	simm.s32 @!p0 $0x1A00  }
0xb4: {  	[tilespmem:s19], [sflag:$0x1] =	stream.indirect_vreg.gather @!p0 [hbm4b:s7+s17], $0x80, v4, vm1, $0xb8;
	[tilespmem:$0x10200] =	vst v63  }
0xb5: {  	_ =	swait.ge [sflag:s28], $0x2000  }
0xb6: {  	[sflag:s28] =	ssyncset.done $0x0  }
0xb7: {  	s19 =	sadd.s32 $0x400, s12;
	[sflag:s28] =	ssyncadd.s32 $0xFFFFE000  }
0xb8: {  	[hbm4b:s19+s2] =	stream.linear.scatter [tilespmem:s16], [sflag:$0xA], $0x2000, $0x38;
	[tilespmem:$0x10200] =	vst v63  }
0xb9: {  	s19 =	simm.s32 @!p0 $0xA  }
0xba: {  	_ =	swait.ge @!p0 [sflag:s19], $0x2000  }
0xbb: {  	[sflag:s19] =	ssyncset.done @!p0 $0x0  }
0xbc: {  	[sflag:s19] =	ssyncadd.s32 @!p0 $0xFFFFE000  }
0xbd: {  	v4 =	vld.msk @!p0 [tilespmem:s4+$0xFFFFFFD0], $0xff;
	_ =	sdelay $0x4  }
0xbe: {  	v5 =	vshll.u32 @!p0 v4, $0x3  }
0xbf: {  	v4 =	vand.u32 @!p0 $0x7, v4;
	v5 =	vand.u32 @!p0 $0xFFFFFFC0, v5  }
0xc0: {  	v4 =	vor.u32 @!p0 v4, v5  }
0xc1: {  	v4 =	vperm.xlane @!p0 v4, v2;
	_ =	sdelay $0x1  }
0xc2: {  	v4 =	vadd.s32 @!p0 v3, v4;
	_ =	sdelay $0x3  }
0xc3: {  	s19 =	simm.s32 @!p0 $0x2200  }
0xc4: {  	[tilespmem:s19], [sflag:$0x2] =	stream.indirect_vreg.gather @!p0 [hbm4b:s1+s17], $0x80, v4, vm1, $0xb8;
	[tilespmem:$0x10200] =	vst v63  }
0xc5: {  	s19 =	simm.s32 @!p0 $0x2A00  }
0xc6: {  	[tilespmem:s19], [sflag:$0x2] =	stream.indirect_vreg.gather @!p0 [hbm4b:s5+s17], $0x80, v4, vm1, $0xb8;
	[tilespmem:$0x10200] =	vst v63  }
0xc7: {  	s19 =	simm.s32 @!p0 $0x3200  }
0xc8: {  	[tilespmem:s19], [sflag:$0x2] =	stream.indirect_vreg.gather @!p0 [hbm4b:s6+s17], $0x80, v4, vm1, $0xb8;
	[tilespmem:$0x10200] =	vst v63  }
0xc9: {  	s19 =	simm.s32 @!p0 $0x3A00  }
0xca: {  	[tilespmem:s19], [sflag:$0x2] =	stream.indirect_vreg.gather @!p0 [hbm4b:s7+s17], $0x80, v4, vm1, $0xb8;
	[tilespmem:$0x10200] =	vst v63  }
0xcb: {  	_ =	swait.ge [sflag:s30], $0x2000  }
0xcc: {  	[sflag:s30] =	ssyncset.done $0x0  }
0xcd: {  	s19 =	sadd.s32 $0x800, s12;
	[sflag:s30] =	ssyncadd.s32 $0xFFFFE000  }
0xce: {  	[hbm4b:s19+s2] =	stream.linear.scatter [tilespmem:s20], [sflag:$0xB], $0x2000, $0x38;
	[tilespmem:$0x10200] =	vst v63  }
0xcf: {  	s19 =	simm.s32 @!p0 $0xB  }
0xd0: {  	_ =	swait.ge @!p0 [sflag:s19], $0x2000  }
0xd1: {  	[sflag:s19] =	ssyncset.done @!p0 $0x0  }
0xd2: {  	[sflag:s19] =	ssyncadd.s32 @!p0 $0xFFFFE000  }
0xd3: {  	v4 =	vld.msk @!p0 [tilespmem:s4+$0xFFFFFFD8], $0xff;
	_ =	sdelay $0x4  }
0xd4: {  	v5 =	vshll.u32 @!p0 v4, $0x3  }
0xd5: {  	v4 =	vand.u32 @!p0 $0x7, v4;
	v5 =	vand.u32 @!p0 $0xFFFFFFC0, v5  }
0xd6: {  	v4 =	vor.u32 @!p0 v4, v5  }
0xd7: {  	v4 =	vperm.xlane @!p0 v4, v2;
	_ =	sdelay $0x1  }
0xd8: {  	v4 =	vadd.s32 @!p0 v3, v4;
	_ =	sdelay $0x3  }
0xd9: {  	s19 =	simm.s32 @!p0 $0x4200  }
0xda: {  	[tilespmem:s19], [sflag:$0x3] =	stream.indirect_vreg.gather @!p0 [hbm4b:s1+s17], $0x80, v4, vm1, $0xb8;
	[tilespmem:$0x10200] =	vst v63  }
0xdb: {  	s19 =	simm.s32 @!p0 $0x4A00  }
0xdc: {  	[tilespmem:s19], [sflag:$0x3] =	stream.indirect_vreg.gather @!p0 [hbm4b:s5+s17], $0x80, v4, vm1, $0xb8;
	[tilespmem:$0x10200] =	vst v63  }
0xdd: {  	s19 =	simm.s32 @!p0 $0x5200  }
0xde: {  	[tilespmem:s19], [sflag:$0x3] =	stream.indirect_vreg.gather @!p0 [hbm4b:s6+s17], $0x80, v4, vm1, $0xb8;
	[tilespmem:$0x10200] =	vst v63  }
0xdf: {  	s19 =	simm.s32 @!p0 $0x5A00  }
0xe0: {  	[tilespmem:s19], [sflag:$0x3] =	stream.indirect_vreg.gather @!p0 [hbm4b:s7+s17], $0x80, v4, vm1, $0xb8;
	[tilespmem:$0x10200] =	vst v63  }
0xe1: {  	_ =	swait.ge [sflag:s31], $0x2000  }
0xe2: {  	[sflag:s31] =	ssyncset.done $0x0  }
0xe3: {  	s19 =	sadd.s32 $0xC00, s12;
	[sflag:s31] =	ssyncadd.s32 $0xFFFFE000  }
0xe4: {  	[hbm4b:s19+s2] =	stream.linear.scatter [tilespmem:s24], [sflag:$0xC], $0x2000, $0x38;
	[tilespmem:$0x10200] =	vst v63  }
0xe5: {  	s19 =	simm.s32 @!p0 $0xC  }
0xe6: {  	_ =	swait.ge @!p0 [sflag:s19], $0x2000  }
0xe7: {  	[sflag:s19] =	ssyncset.done @!p0 $0x0  }
0xe8: {  	[sflag:s19] =	ssyncadd.s32 @!p0 $0xFFFFE000  }
0xe9: {  	v4 =	vld.msk @!p0 [tilespmem:s4+$0xFFFFFFE0], $0xff;
	_ =	sdelay $0x4  }
0xea: {  	v5 =	vshll.u32 @!p0 v4, $0x3  }
0xeb: {  	v4 =	vand.u32 @!p0 $0x7, v4;
	v5 =	vand.u32 @!p0 $0xFFFFFFC0, v5  }
0xec: {  	v4 =	vor.u32 @!p0 v4, v5  }
0xed: {  	v4 =	vperm.xlane @!p0 v4, v2;
	_ =	sdelay $0x1  }
0xee: {  	v4 =	vadd.s32 @!p0 v3, v4;
	_ =	sdelay $0x3  }
0xef: {  	s19 =	simm.s32 @!p0 $0x6200  }
0xf0: {  	[tilespmem:s19], [sflag:$0x4] =	stream.indirect_vreg.gather @!p0 [hbm4b:s1+s17], $0x80, v4, vm1, $0xb8;
	[tilespmem:$0x10200] =	vst v63  }
0xf1: {  	s19 =	simm.s32 @!p0 $0x6A00  }
0xf2: {  	[tilespmem:s19], [sflag:$0x4] =	stream.indirect_vreg.gather @!p0 [hbm4b:s5+s17], $0x80, v4, vm1, $0xb8;
	[tilespmem:$0x10200] =	vst v63  }
0xf3: {  	s19 =	simm.s32 @!p0 $0x7200  }
0xf4: {  	[tilespmem:s19], [sflag:$0x4] =	stream.indirect_vreg.gather @!p0 [hbm4b:s6+s17], $0x80, v4, vm1, $0xb8;
	[tilespmem:$0x10200] =	vst v63  }
0xf5: {  	s19 =	simm.s32 @!p0 $0x7A00  }
0xf6: {  	[tilespmem:s19], [sflag:$0x4] =	stream.indirect_vreg.gather @!p0 [hbm4b:s7+s17], $0x80, v4, vm1, $0xb8;
	[tilespmem:$0x10200] =	vst v63  }
0xf7: {  	_ =	swait.ge [sflag:s0], $0x2000  }
0xf8: {  	[sflag:s0] =	ssyncset.done $0x0  }
0xf9: {  	s19 =	sadd.s32 $0x1000, s12;
	[sflag:s0] =	ssyncadd.s32 $0xFFFFE000  }
0xfa: {  	[hbm4b:s19+s2] =	stream.linear.scatter [tilespmem:s29], [sflag:$0xD], $0x2000, $0x38;
	[tilespmem:$0x10200] =	vst v63  }
0xfb: {  	s19 =	simm.s32 @!p0 $0xD  }
0xfc: {  	_ =	swait.ge @!p0 [sflag:s19], $0x2000  }
0xfd: {  	[sflag:s19] =	ssyncset.done @!p0 $0x0  }
0xfe: {  	[sflag:s19] =	ssyncadd.s32 @!p0 $0xFFFFE000  }
0xff: {  	v4 =	vld.msk @!p0 [tilespmem:s4+$0xFFFFFFE8], $0xff;
	_ =	sdelay $0x4  }
0x100: {  	v5 =	vshll.u32 @!p0 v4, $0x3  }
0x101: {  	v4 =	vand.u32 @!p0 $0x7, v4;
	v5 =	vand.u32 @!p0 $0xFFFFFFC0, v5  }
0x102: {  	v4 =	vor.u32 @!p0 v4, v5  }
0x103: {  	v4 =	vperm.xlane @!p0 v4, v2;
	_ =	sdelay $0x1  }
0x104: {  	v4 =	vadd.s32 @!p0 v3, v4;
	_ =	sdelay $0x3  }
0x105: {  	s19 =	simm.s32 @!p0 $0x8200  }
0x106: {  	[tilespmem:s19], [sflag:$0x5] =	stream.indirect_vreg.gather @!p0 [hbm4b:s1+s17], $0x80, v4, vm1, $0xb8;
	[tilespmem:$0x10200] =	vst v63  }
0x107: {  	s19 =	simm.s32 @!p0 $0x8A00  }
0x108: {  	[tilespmem:s19], [sflag:$0x5] =	stream.indirect_vreg.gather @!p0 [hbm4b:s5+s17], $0x80, v4, vm1, $0xb8;
	[tilespmem:$0x10200] =	vst v63  }
0x109: {  	s19 =	simm.s32 @!p0 $0x9200  }
0x10a: {  	[tilespmem:s19], [sflag:$0x5] =	stream.indirect_vreg.gather @!p0 [hbm4b:s6+s17], $0x80, v4, vm1, $0xb8;
	[tilespmem:$0x10200] =	vst v63  }
0x10b: {  	s19 =	simm.s32 @!p0 $0x9A00  }
0x10c: {  	[tilespmem:s19], [sflag:$0x5] =	stream.indirect_vreg.gather @!p0 [hbm4b:s7+s17], $0x80, v4, vm1, $0xb8;
	[tilespmem:$0x10200] =	vst v63  }
0x10d: {  	_ =	swait.ge [sflag:s10], $0x2000  }
0x10e: {  	[sflag:s10] =	ssyncset.done $0x0  }
0x10f: {  	s19 =	sadd.s32 $0x1400, s12;
	[sflag:s10] =	ssyncadd.s32 $0xFFFFE000  }
0x110: {  	[hbm4b:s19+s2] =	stream.linear.scatter [tilespmem:s3], [sflag:$0xE], $0x2000, $0x38;
	[tilespmem:$0x10200] =	vst v63  }
0x111: {  	s19 =	simm.s32 @!p0 $0xE  }
0x112: {  	_ =	swait.ge @!p0 [sflag:s19], $0x2000  }
0x113: {  	[sflag:s19] =	ssyncset.done @!p0 $0x0  }
0x114: {  	[sflag:s19] =	ssyncadd.s32 @!p0 $0xFFFFE000  }
0x115: {  	v4 =	vld.msk @!p0 [tilespmem:s4+$0xFFFFFFF0], $0xff;
	_ =	sdelay $0x4  }
0x116: {  	v5 =	vshll.u32 @!p0 v4, $0x3  }
0x117: {  	v4 =	vand.u32 @!p0 $0x7, v4;
	v5 =	vand.u32 @!p0 $0xFFFFFFC0, v5  }
0x118: {  	v4 =	vor.u32 @!p0 v4, v5  }
0x119: {  	v4 =	vperm.xlane @!p0 v4, v2;
	_ =	sdelay $0x1  }
0x11a: {  	v4 =	vadd.s32 @!p0 v3, v4;
	_ =	sdelay $0x3  }
0x11b: {  	s19 =	simm.s32 @!p0 $0xA200  }
0x11c: {  	[tilespmem:s19], [sflag:$0x6] =	stream.indirect_vreg.gather @!p0 [hbm4b:s1+s17], $0x80, v4, vm1, $0xb8;
	[tilespmem:$0x10200] =	vst v63  }
0x11d: {  	s19 =	simm.s32 @!p0 $0xAA00  }
0x11e: {  	[tilespmem:s19], [sflag:$0x6] =	stream.indirect_vreg.gather @!p0 [hbm4b:s5+s17], $0x80, v4, vm1, $0xb8;
	[tilespmem:$0x10200] =	vst v63  }
0x11f: {  	s19 =	simm.s32 @!p0 $0xB200  }
0x120: {  	[tilespmem:s19], [sflag:$0x6] =	stream.indirect_vreg.gather @!p0 [hbm4b:s6+s17], $0x80, v4, vm1, $0xb8;
	[tilespmem:$0x10200] =	vst v63  }
0x121: {  	s19 =	simm.s32 @!p0 $0xBA00  }
0x122: {  	[tilespmem:s19], [sflag:$0x6] =	stream.indirect_vreg.gather @!p0 [hbm4b:s7+s17], $0x80, v4, vm1, $0xb8;
	[tilespmem:$0x10200] =	vst v63  }
0x123: {  	_ =	swait.ge [sflag:s13], $0x2000  }
0x124: {  	[sflag:s13] =	ssyncset.done $0x0  }
0x125: {  	s19 =	sadd.s32 $0x1800, s12;
	[sflag:s13] =	ssyncadd.s32 $0xFFFFE000  }
0x126: {  	[hbm4b:s19+s2] =	stream.linear.scatter [tilespmem:s15], [sflag:$0xF], $0x2000, $0x38;
	[tilespmem:$0x10200] =	vst v63  }
0x127: {  	s19 =	simm.s32 @!p0 $0xF  }
0x128: {  	_ =	swait.ge @!p0 [sflag:s19], $0x2000  }
0x129: {  	[sflag:s19] =	ssyncset.done @!p0 $0x0  }
0x12a: {  	[sflag:s19] =	ssyncadd.s32 @!p0 $0xFFFFE000  }
0x12b: {  	v4 =	vld.msk @!p0 [tilespmem:s4+$0xFFFFFFF8], $0xff;
	_ =	sdelay $0x4  }
0x12c: {  	v5 =	vshll.u32 @!p0 v4, $0x3  }
0x12d: {  	v4 =	vand.u32 @!p0 $0x7, v4;
	v5 =	vand.u32 @!p0 $0xFFFFFFC0, v5  }
0x12e: {  	v4 =	vor.u32 @!p0 v4, v5  }
0x12f: {  	v2 =	vperm.xlane @!p0 v4, v2;
	_ =	sdelay $0x1  }
0x130: {  	v2 =	vadd.s32 @!p0 v3, v2;
	_ =	sdelay $0x3  }
0x131: {  	s19 =	simm.s32 @!p0 $0xC200  }
0x132: {  	[tilespmem:s19], [sflag:$0x7] =	stream.indirect_vreg.gather @!p0 [hbm4b:s1+s17], $0x80, v2, vm1, $0xb8;
	[tilespmem:$0x10200] =	vst v63  }
0x133: {  	s19 =	simm.s32 @!p0 $0xCA00  }
0x134: {  	[tilespmem:s19], [sflag:$0x7] =	stream.indirect_vreg.gather @!p0 [hbm4b:s5+s17], $0x80, v2, vm1, $0xb8;
	[tilespmem:$0x10200] =	vst v63  }
0x135: {  	s19 =	simm.s32 @!p0 $0xD200  }
0x136: {  	[tilespmem:s19], [sflag:$0x7] =	stream.indirect_vreg.gather @!p0 [hbm4b:s6+s17], $0x80, v2, vm1, $0xb8;
	[tilespmem:$0x10200] =	vst v63  }
0x137: {  	s19 =	simm.s32 @!p0 $0xDA00  }
0x138: {  	[tilespmem:s19], [sflag:$0x7] =	stream.indirect_vreg.gather @!p0 [hbm4b:s7+s17], $0x80, v2, vm1, $0xb8;
	[tilespmem:$0x10200] =	vst v63  }
.Ltmp2:
0x139: {  	_ = 	snop;
	(pc) =	sbr.rel @p0 .LBB2_4-.Ltmp2, $4  }
0x13a: {  	_ =	swait.ge [sflag:s14], $0x2000  }
0x13b: {  	[sflag:s14] =	ssyncset.done $0x0  }
0x13c: {  	s12 =	sadd.s32 $0x1C00, s12;
	[sflag:s14] =	ssyncadd.s32 $0xFFFFE000  }
0x13d: {  	[hbm4b:s12+s2] =	stream.linear.scatter [tilespmem:s21], [sflag:$0x10], $0x2000, $0x38;
	[tilespmem:$0x10200] =	vst v63  }
0x13e: {  	_ =	swait.ge [sflag:s18], $0x2000  }
0x13f: {  	[sflag:s18] =	ssyncset.done $0x0  }
0x140: {  	[sflag:s18] =	ssyncadd.s32 $0xFFFFE000  }
0x141: {  	v2 =	vld.msk [tilespmem:s4+$0x0], $0xff;
	_ =	sdelay $0x4  }
0x142: {  	v3 =	vshll.u32 v2, $0x3  }
0x143: {  	v2 =	vand.u32 $0x7, v2;
	v3 =	vand.u32 $0xFFFFFFC0, v3  }
0x144: {  	v2 =	vor.u32 v2, v3  }
0x145: {  	v2 =	vperm.xlane v2, v0;
	_ =	sdelay $0x1  }
0x146: {  	v2 =	vadd.s32 v1, v2;
	_ =	sdelay $0x4  }
0x147: {  	[tilespmem:s21], [sflag:$0x8] =	stream.indirect_vreg.gather [hbm4b:s1+s2], $0x80, v2, vm0, $0xb8;
	[tilespmem:$0x10200] =	vst v63  }
0x148: {  	_ = 	snop  }
0x149: {  	[tilespmem:s22], [sflag:$0x8] =	stream.indirect_vreg.gather [hbm4b:s5+s2], $0x80, v2, vm0, $0xb8;
	[tilespmem:$0x10200] =	vst v63  }
.Ltmp3:
0x14a: {  	_ = 	snop;
	(pc) =	sbr.rel .LBB2_2-.Ltmp3, $4  }
0x14b: {  	_ = 	snop  }
0x14c: {  	[tilespmem:s23], [sflag:$0x8] =	stream.indirect_vreg.gather [hbm4b:s6+s2], $0x80, v2, vm0, $0xb8;
	[tilespmem:$0x10200] =	vst v63  }
0x14d: {  	s8 =	sadd.s32 $0x2000, s8;
	s4 =	sadd.s32 $0x40, s4  }
0x14e: {  	[tilespmem:s25], [sflag:$0x8] =	stream.indirect_vreg.gather [hbm4b:s7+s2], $0x80, v2, vm0, $0xb8;
	[tilespmem:$0x10200] =	vst v63  }
.LBB2_5:
0x14f: {  	_ =	sfence.sel $0x180000  }
0x150: {  	[bflag:$0x0] =	sbarrier.arrive $0xFFFF  }
0x151: {  	_ =	strace $0x90000047  }
0x152: {  	s0 =	stileid.u32;
	[bflag:$0x2] =	sbarrier.arrive $0xFFFF  }
0x153: {  	p0 =	sne.s32 s0, $0x0;
	s0 =	rddreg [dreg:$0x3]  }
0x154: {  	s0 =	sadd.s32 @!p0 $0x100000, s0  }
0x155: {  	[sflag:s0] =	ssyncadd.tile.s32 @!p0 $0x1;
	_ =	shalt  }
.Lfunc_end2:
_tile_overlayer_lowered:
.L_overlay_start_2:
0x156: {  	(tag) =	ssettag $0x2  }
0x157: {  	s0 =	rddreg [dreg:$0x0];
	s2 =	stileid.u32  }
0x158: {  	s1 =	rddreg [dreg:$0x1];
	p0 =	sne.s32 s2, $0x0  }
0x159: {  	s3 =	rddreg [dreg:$0x2];
	[bflag:$0x3] =	sbarrier.arrive $0xFFFF;
	s2 =	simm.s32 @!p0 $0x1C11  }
0x15a: {  	[timem:s3], [sflag:s2] =	dma.local @!p0 [hbm:s0], s1  }
0x15b: {  	s0 =	simm.s32 @!p0 $0x11  }
0x15c: {  	_ =	swait.ge @!p0 [sflag:s0], s1  }
0x15d: {  	s1 =	ssub.s32 @!p0 $0x0, s1;
	[sflag:s0] =	ssyncset.done @!p0 $0x0  }
0x15e: {  	[sflag:s0] =	ssyncadd.s32 @!p0 s1  }
0x15f: {  	[bflag:$0x3] =	sbarrier.arrive $0xFFFF  }
0x160: {  	_ =	shalt  }

</sc_bundles>
